<compile_context>
chip_gen: v7x
topology: tpu7x:2x2x1
jax: 0.10.2.dev20260603
libtpu: 0.0.44.dev20260713+nightly
codegen_flags: <defaults>
</compile_context>

<pallas_src>
import jax
import jax.numpy as jnp
from jax import lax
from jax.experimental import pallas as pl
from jax.experimental.pallas import tpu as pltpu
from jax.experimental.pallas import tpu_sc as plsc

_L = 16
_N = 4096
_B = 64
_C = 128
_NB = 2048
_NC, _NS = 2, 16
_NW = _NC * _NS
_GROUPS = _C // _L
_TASKS = _B * _GROUPS
_PER_W = _TASKS // _NW
_CHUNK = 128
_K = 2047
_POS = 0x7FFFFFFF
_MAX32 = 2**31 - 1


def _scan_level(hist, nbins, kvec, unroll=16):
    zeros = jnp.zeros((_L,), jnp.int32)

    @plsc.parallel_loop(0, nbins, unroll=unroll, carry=(zeros, zeros, zeros))
    def scan(i, carry):
        acc, bkt, cb = carry
        h = hist[i]
        hist[i] = zeros
        acc = acc + h
        le = acc <= kvec
        bkt = bkt + le.astype(jnp.int32)
        cb = jnp.where(le, acc, cb)
        return acc, bkt, cb

    _, bkt, cb = scan
    return bkt, cb


def _sc_median_body(x_hbm, o_hbm, data, hist, outv, idx, sem):
    cid = lax.axis_index("c")
    sid = lax.axis_index("s")
    wid = sid * _NC + cid
    lanes = lax.iota(jnp.int32, _L)
    ones = jnp.ones((_L,), jnp.int32)
    zeros = jnp.zeros((_L,), jnp.int32)

    @plsc.parallel_loop(0, _NB, unroll=8)
    def clr(i):
        hist[i] = zeros

    def task_body(t, _):
        task = wid * _PER_W + t
        b = task // _GROUPS
        g = task % _GROUPS
        base = b * (_N * _GROUPS) + g

        @plsc.parallel_loop(0, _N // _L, unroll=4)
        def mkidx(j):
            idx[pl.ds(j * _L, _L)] = (base + 8 * _L * j) + lanes * 8

        def fire(c, _):
            pltpu.async_copy(
                x_hbm.at[idx.at[pl.ds(c * _CHUNK, _CHUNK)]],
                data.at[pl.ds(c * _CHUNK, _CHUNK)], sem)
            return 0

        lax.fori_loop(0, _N // _CHUNK, fire, 0)

        def b1_chunk(c, _):
            pltpu.make_async_copy(
                x_hbm.at[pl.ds(0, _CHUNK)],
                data.at[pl.ds(c * _CHUNK, _CHUNK)], sem).wait()

            @plsc.parallel_loop(c * _CHUNK, (c + 1) * _CHUNK, unroll=8)
            def b1(i):
                v = data[i]
                k = jnp.where(v < 0, v ^ _POS, v)
                data[i] = k
                plsc.addupdate_scatter(hist, [(k >> 21) + 1024, lanes], ones)

            return 0

        lax.fori_loop(0, _N // _CHUNK, b1_chunk, 0)
        bkt1, cb1 = _scan_level(hist, _NB, jnp.full((_L,), _K, jnp.int32))
        pfx1 = bkt1 - 1024
        r1 = jnp.full((_L,), _K, jnp.int32) - cb1

        @plsc.parallel_loop(0, _N, unroll=8)
        def b2(i):
            k = data[i]
            m = (k >> 21) == pfx1
            plsc.addupdate_scatter(
                hist, [(k >> 10) & (_NB - 1), lanes], ones, mask=m)
        bkt2, cb2 = _scan_level(hist, _NB, r1)
        pfx2 = (pfx1 << 11) | bkt2
        r2 = r1 - cb2

        maxv = jnp.full((_L,), _MAX32, jnp.int32)

        @plsc.parallel_loop(0, _N, unroll=8, carry=maxv)
        def b3(i, mgrp):
            k = data[i]
            p = k >> 10
            m = p == pfx2
            plsc.addupdate_scatter(hist, [k & 1023, lanes], ones, mask=m)
            return jnp.minimum(mgrp, jnp.where(p > pfx2, k, _MAX32))

        mgrp = b3

        @plsc.parallel_loop(
            0, 1024, unroll=8, carry=(zeros, zeros, zeros, maxv, maxv))
        def scan3(i, carry):
            acc, bkt, cb, aft, nbk = carry
            h = hist[i]
            hist[i] = zeros
            acc = acc + h
            le = acc <= r2
            bkt = bkt + le.astype(jnp.int32)
            cb = jnp.where(le, acc, cb)
            aft = jnp.minimum(aft, jnp.where(le, _MAX32, acc))
            nb_cond = jnp.logical_and(
                jnp.logical_and(jnp.logical_not(le), h > 0), i > bkt)
            nbk = jnp.minimum(nbk, jnp.where(nb_cond, i, _MAX32))
            return acc, bkt, cb, aft, nbk

        _, bkt3, _cb3, aft3, nbk = scan3
        key_a = (pfx2 << 10) | bkt3

        cnt_le = cb1 + cb2 + aft3
        nb_valid = nbk < 1024
        key_n = jnp.where(
            nb_valid, (pfx2 << 10) | jnp.where(nb_valid, nbk, 0), _MAX32)
        key_b = jnp.where(
            cnt_le > _K + 1, key_a, jnp.minimum(key_n, mgrp))

        bits_a = jnp.where(key_a >= 0, key_a, key_a ^ _POS)
        bits_b = jnp.where(key_b >= 0, key_b, key_b ^ _POS)
        va = lax.bitcast_convert_type(bits_a, jnp.float32)
        vb = lax.bitcast_convert_type(bits_b, jnp.float32)
        outv[...] = va + 0.5 * (vb - va)
        pltpu.sync_copy(outv, o_hbm.at[task])
        return 0

    lax.fori_loop(0, _PER_W, task_body, 0)


def kernel(x):
    xi = lax.bitcast_convert_type(x, jnp.int32).reshape(_N * _B * _GROUPS, _L)
    mesh = plsc.VectorSubcoreMesh(
        core_axis_name="c", subcore_axis_name="s",
        num_cores=_NC, num_subcores=_NS)
    f = pl.kernel(
        _sc_median_body,
        out_type=jax.ShapeDtypeStruct((_TASKS, _L), jnp.float32),
        mesh=mesh,
        compiler_params=pltpu.CompilerParams(
            needs_layout_passes=False, use_tc_tiling_on_sc=False),
        scratch_types=[
            pltpu.VMEM((_N, _L), jnp.int32),
            pltpu.VMEM((_NB, _L), jnp.int32),
            pltpu.VMEM((_L,), jnp.float32),
            pltpu.VMEM((_N,), jnp.int32),
            pltpu.SemaphoreType.DMA,
        ],
    )
    return f(xi).reshape(_B, _C)

# --- scband reference (transcript-rebuilt; emitter-appended) ---
"""Pipeline reference for scband-quantile-op-74474732912822 (READ-ONLY COPY).

The authoritative reference and input builder live on the scoring server;
editing this copy changes nothing except your own understanding.
"""

import jax, jax.numpy as jnp
import numpy as np

Q = 0.5

def setup_inputs(seed: int = 0) -> dict:
    key = jax.random.key(seed)
    x = jax.random.normal(key, (64, 4096, 128), dtype=jnp.float32)
    return {"x": x}

def reference(x):
    # torch.quantile(x, q, dim=-2) with linear interpolation (default)
    return jnp.quantile(x, Q, axis=-2)

if __name__ == "__main__":
    import jax
    _d = setup_inputs()
    print(jax.jit(kernel)(*tuple(_d.values())))

</pallas_src>

<mosaic_0001>
#map = affine_map<(d0, d1) -> (0, 0)>
module attributes {stable_mosaic.version = 14 : i64} {
  func.func @_sc_median_body(%arg0: i32, %arg1: i32, %arg2: memref<2097152x16xi32, #tpu.memory_space<hbm>>, %arg3: memref<512x16xf32, #tpu.memory_space<hbm>>, %arg4: memref<4096x16xi32, #tpu.memory_space<vmem>>, %arg5: memref<2048x16xi32, #tpu.memory_space<vmem>>, %arg6: memref<16xf32, #tpu.memory_space<vmem>>, %arg7: memref<4096xi32, #tpu.memory_space<vmem>>, %arg8: memref<!tpu.dma_semaphore, #tpu.memory_space<semaphore_mem>>) attributes {dimension_semantics = [#tpu.dimension_semantics<core_parallel>, #tpu.dimension_semantics<subcore_parallel>], iteration_bounds = array<i64: 2, 16>, scalar_prefetch = 0 : i64, scratch_operands = 5 : i64, tpu.core_type = #tpu.core_type<sc_vector_subcore>, window_params = [{transform_indices = #map}, {transform_indices = #map}]} {
    %mul3A = arith.constant 2 : i32
    %mul3A_0 = arith.muli %arg1, %mul3A : i32
    %add3A = arith.addi %mul3A_0, %arg0 : i32
    %iota3A = tpu.iota {dimensions = array<i32: 0>} : vector<16xi32>
    %broadcast_in_dim3A = arith.constant 1 : i32
    %broadcast_in_dim3A_1 = vector.broadcast %broadcast_in_dim3A : i32 to vector<16xi32>
    %broadcast_in_dim3A_2 = arith.constant 0 : i32
    %broadcast_in_dim3A_3 = vector.broadcast %broadcast_in_dim3A_2 : i32 to vector<16xi32>
    %parallel_loop3A = arith.constant 0 : i32
    %parallel_loop3A_4 = arith.constant 2048 : i32
    %parallel_loop3A_5 = arith.constant 1 : i32
    scf.for %parallel_loop3A_12 = %parallel_loop3A to %parallel_loop3A_4 step %parallel_loop3A_5  : i32 {
      %parallel_loop3A_13 = arith.index_cast %parallel_loop3A_12 : i32 to index
      %parallel_loop3A_14 = arith.constant 0 : index
      %parallel_loop3A_15 = tpu.vector_load %arg5[%parallel_loop3A_13, %parallel_loop3A_14] {strides = array<i32>} : memref<2048x16xi32, #tpu.memory_space<vmem>>, vector<16xi32>,
      tpu.vector_store %arg5[%parallel_loop3A_13, %parallel_loop3A_14], %broadcast_in_dim3A_3 {strides = array<i32>} : memref<2048x16xi32, #tpu.memory_space<vmem>>, vector<16xi32>,
    } {sc.loop_unroll_factor = 8 : i64, sc.parallel_access}
    %scan3A = arith.constant 0 : i32
    %scan3A_6 = arith.constant 0 : i32
    %scan3A_7 = arith.constant 16 : i32
    %scan3A_8 = arith.addi %scan3A_6, %scan3A_7 : i32
    %scan3A_9 = arith.constant 1 : i32
    %scan3A_10 = scf.for %scan3A_12 = %scan3A_6 to %scan3A_8 step %scan3A_9 iter_args(%scan3A_13 = %scan3A) -> (i32)  : i32 {
      %mul3A_14 = arith.constant 16 : i32
      %mul3A_15 = arith.muli %add3A, %mul3A_14 : i32
      %add3A_16 = arith.addi %mul3A_15, %scan3A_12 : i32
      %jit3A = arith.constant 8 : i32
      %div3A = arith.divsi %add3A_16, %jit3A : i32
      %sign3A = arith.constant 0 : i32
      %sign3A_17 = arith.cmpi sgt, %add3A_16, %sign3A : i32
      %sign3A_18 = arith.extui %sign3A_17 : i1 to i32
      %sign3A_19 = arith.constant 0 : i32
      %sign3A_20 = arith.cmpi slt, %add3A_16, %sign3A_19 : i32
      %sign3A_21 = arith.extui %sign3A_20 : i1 to i32
      %sign3A_22 = arith.subi %sign3A_18, %sign3A_21 : i32
      %sign3A_23 = arith.constant 0 : i32
      %sign3A_24 = arith.cmpi sgt, %jit3A, %sign3A_23 : i32
      %sign3A_25 = arith.extui %sign3A_24 : i1 to i32
      %sign3A_26 = arith.constant 0 : i32
      %sign3A_27 = arith.cmpi slt, %jit3A, %sign3A_26 : i32
      %sign3A_28 = arith.extui %sign3A_27 : i1 to i32
      %sign3A_29 = arith.subi %sign3A_25, %sign3A_28 : i32
      %ne3A = arith.cmpi ne, %sign3A_22, %sign3A_29 : i32
      %rem3A = arith.remsi %add3A_16, %jit3A : i32
      %ne3A_30 = arith.constant 0 : i32
      %ne3A_31 = arith.cmpi ne, %rem3A, %ne3A_30 : i32
      %and3A = arith.andi %ne3A, %ne3A_31 : i1
      %sub3A = arith.constant 1 : i32
      %sub3A_32 = arith.subi %div3A, %sub3A : i32
      %select_n3A = arith.select %and3A, %sub3A_32, %div3A : i32
      %jit3A_33 = arith.constant 8 : i32
      %eq3A = arith.constant 0 : i32
      %eq3A_34 = arith.cmpi eq, %jit3A_33, %eq3A : i32
      %jit3A_35 = arith.constant 1 : i32
      %select_n3A_36 = arith.select %eq3A_34, %jit3A_35, %jit3A_33 : i32
      %rem3A_37 = arith.remsi %add3A_16, %select_n3A_36 : i32
      %ne3A_38 = arith.constant 0 : i32
      %ne3A_39 = arith.cmpi ne, %rem3A_37, %ne3A_38 : i32
      %lt3A = arith.constant 0 : i32
      %lt3A_40 = arith.cmpi slt, %rem3A_37, %lt3A : i32
      %lt3A_41 = arith.constant 0 : i32
      %lt3A_42 = arith.cmpi slt, %select_n3A_36, %lt3A_41 : i32
      %ne3A_43 = arith.xori %lt3A_40, %lt3A_42 : i1
      %and3A_44 = arith.andi %ne3A_43, %ne3A_39 : i1
      %add3A_45 = arith.addi %rem3A_37, %select_n3A_36 : i32
      %select_n3A_46 = arith.select %and3A_44, %add3A_45, %rem3A_37 : i32
      %mul3A_47 = arith.constant 32768 : i32
      %mul3A_48 = arith.muli %select_n3A, %mul3A_47 : i32
      %add3A_49 = arith.addi %mul3A_48, %select_n3A_46 : i32
      %parallel_loop3A_50 = arith.constant 0 : i32
      %parallel_loop3A_51 = arith.constant 256 : i32
      %parallel_loop3A_52 = arith.constant 1 : i32
      scf.for %parallel_loop3A_145 = %parallel_loop3A_50 to %parallel_loop3A_51 step %parallel_loop3A_52  : i32 {
        %parallel_loop3A_146 = arith.constant 128 : i32
        %parallel_loop3A_147 = arith.muli %parallel_loop3A_146, %parallel_loop3A_145 : i32
        %parallel_loop3A_148 = arith.addi %add3A_49, %parallel_loop3A_147 : i32
        %parallel_loop3A_149 = arith.constant 8 : i32
        %parallel_loop3A_150 = vector.broadcast %parallel_loop3A_149 : i32 to vector<16xi32>
        %parallel_loop3A_151 = arith.muli %iota3A, %parallel_loop3A_150 : vector<16xi32>
        %parallel_loop3A_152 = vector.broadcast %parallel_loop3A_148 : i32 to vector<16xi32>
        %parallel_loop3A_153 = arith.addi %parallel_loop3A_152, %parallel_loop3A_151 : vector<16xi32>
        %parallel_loop3A_154 = arith.constant 16 : i32
        %parallel_loop3A_155 = arith.muli %parallel_loop3A_145, %parallel_loop3A_154 : i32
        %parallel_loop3A_156 = arith.index_cast %parallel_loop3A_155 : i32 to index
        %parallel_loop3A_157 = tpu.vector_load %arg7[%parallel_loop3A_156] {strides = array<i32>} : memref<4096xi32, #tpu.memory_space<vmem>>, vector<16xi32>,
        tpu.vector_store %arg7[%parallel_loop3A_156], %parallel_loop3A_153 {strides = array<i32>} : memref<4096xi32, #tpu.memory_space<vmem>>, vector<16xi32>,
      } {sc.loop_unroll_factor = 4 : i64, sc.parallel_access}
      %scan3A_53 = arith.constant 0 : i32
      %scan3A_54 = arith.constant 0 : i32
      %scan3A_55 = arith.constant 32 : i32
      %scan3A_56 = arith.addi %scan3A_54, %scan3A_55 : i32
      %scan3A_57 = arith.constant 1 : i32
      %scan3A_58 = scf.for %scan3A_145 = %scan3A_54 to %scan3A_56 step %scan3A_57 iter_args(%scan3A_146 = %scan3A_53) -> (i32)  : i32 {
        %mul3A_147 = arith.constant 128 : i32
        %mul3A_148 = arith.muli %scan3A_145, %mul3A_147 : i32
        %mul3A_149 = arith.constant 128 : i32
        %mul3A_150 = arith.muli %scan3A_145, %mul3A_149 : i32
        %dma_start3A = arith.constant 0 : i32
        %dma_start3A_151 = tpu.memref_slice %arg4[%mul3A_150, %dma_start3A] : memref<4096x16xi32, #tpu.memory_space<vmem>> -> memref<128x16xi32, #tpu.memory_space<vmem>>
        %dma_start3A_152 = tpu.memref_slice %arg7[%mul3A_148] : memref<4096xi32, #tpu.memory_space<vmem>> -> memref<128xi32, #tpu.memory_space<vmem>>
        %dma_start3A_153 = arith.constant 0 : i32
        %dma_start3A_154 = arith.constant 0 : i32
        %dma_start3A_155 = tpu.memref_slice %arg2[%dma_start3A_153, %dma_start3A_154] : memref<2097152x16xi32, #tpu.memory_space<hbm>> -> memref<2097152x16xi32, #tpu.memory_space<hbm>>
        tpu.enqueue_indirect_dma source(%dma_start3A_155 : memref<2097152x16xi32, #tpu.memory_space<hbm>>) target(%dma_start3A_151 : memref<128x16xi32, #tpu.memory_space<vmem>>) offsets(%dma_start3A_152 : memref<128xi32, #tpu.memory_space<vmem>>) semaphore(%arg8 : memref<!tpu.dma_semaphore, #tpu.memory_space<semaphore_mem>>)
        %scan3A_156 = arith.constant 0 : i32
        scf.yield %scan3A_156 : i32
      }
      %scan3A_59 = arith.constant 32 : i32
      %scan3A_60 = arith.constant 0 : i32
      %scan3A_61 = arith.constant 0 : i32
      %scan3A_62 = arith.constant 32 : i32
      %scan3A_63 = arith.addi %scan3A_61, %scan3A_62 : i32
      %scan3A_64 = arith.constant 1 : i32
      %scan3A_65 = scf.for %scan3A_145 = %scan3A_61 to %scan3A_63 step %scan3A_64 iter_args(%scan3A_146 = %scan3A_60) -> (i32)  : i32 {
        %mul3A_147 = arith.constant 128 : i32
        %mul3A_148 = arith.muli %scan3A_145, %mul3A_147 : i32
        %dma_wait3A = arith.constant 0 : i32
        %dma_wait3A_149 = tpu.memref_slice %arg4[%mul3A_148, %dma_wait3A] : memref<4096x16xi32, #tpu.memory_space<vmem>> -> memref<128x16xi32, #tpu.memory_space<vmem>>
        %dma_wait3A_150 = arith.constant 0 : i32
        %dma_wait3A_151 = arith.constant 0 : i32
        %dma_wait3A_152 = tpu.memref_slice %arg2[%dma_wait3A_150, %dma_wait3A_151] : memref<2097152x16xi32, #tpu.memory_space<hbm>> -> memref<128x16xi32, #tpu.memory_space<hbm>>
        %dma_wait3A_153 = arith.constant 0 : i32
        %dma_wait3A_154 = tpu.memref_slice %arg4[%mul3A_148, %dma_wait3A_153] : memref<4096x16xi32, #tpu.memory_space<vmem>> -> memref<128x16xi32, #tpu.memory_space<vmem>>
        %dma_wait3A_155 = arith.constant 0 : i32
        %dma_wait3A_156 = arith.constant 0 : i32
        %dma_wait3A_157 = tpu.memref_slice %arg2[%dma_wait3A_155, %dma_wait3A_156] : memref<2097152x16xi32, #tpu.memory_space<hbm>> -> memref<128x16xi32, #tpu.memory_space<hbm>>
        tpu.wait_dma2 semaphore(%arg8 : memref<!tpu.dma_semaphore, #tpu.memory_space<semaphore_mem>>) src(%dma_wait3A_157 : memref<128x16xi32, #tpu.memory_space<hbm>>) dst(%dma_wait3A_154 : memref<128x16xi32, #tpu.memory_space<vmem>>)
        %mul3A_158 = arith.constant 128 : i32
        %mul3A_159 = arith.muli %scan3A_145, %mul3A_158 : i32
        %add3A_160 = arith.constant 1 : i32
        %add3A_161 = arith.addi %scan3A_145, %add3A_160 : i32
        %mul3A_162 = arith.constant 128 : i32
        %mul3A_163 = arith.muli %add3A_161, %mul3A_162 : i32
        %parallel_loop3A_164 = arith.constant 1 : i32
        scf.for %parallel_loop3A_166 = %mul3A_159 to %mul3A_163 step %parallel_loop3A_164  : i32 {
          %parallel_loop3A_167 = arith.index_cast %parallel_loop3A_166 : i32 to index
          %parallel_loop3A_168 = arith.constant 0 : index
          %parallel_loop3A_169 = tpu.vector_load %arg4[%parallel_loop3A_167, %parallel_loop3A_168] {strides = array<i32>} : memref<4096x16xi32, #tpu.memory_space<vmem>>, vector<16xi32>,
          %parallel_loop3A_170 = arith.constant 0 : i32
          %parallel_loop3A_171 = vector.broadcast %parallel_loop3A_170 : i32 to vector<16xi32>
          %parallel_loop3A_172 = arith.cmpi slt, %parallel_loop3A_169, %parallel_loop3A_171 : vector<16xi32>
          %parallel_loop3A_173 = arith.constant 2147483647 : i32
          %parallel_loop3A_174 = vector.broadcast %parallel_loop3A_173 : i32 to vector<16xi32>
          %parallel_loop3A_175 = arith.xori %parallel_loop3A_169, %parallel_loop3A_174 : vector<16xi32>
          %parallel_loop3A_176 = arith.select %parallel_loop3A_172, %parallel_loop3A_175, %parallel_loop3A_169 : vector<16xi1>, vector<16xi32>
          %parallel_loop3A_177 = arith.index_cast %parallel_loop3A_166 : i32 to index
          %parallel_loop3A_178 = arith.constant 0 : index
          %parallel_loop3A_179 = tpu.vector_load %arg4[%parallel_loop3A_177, %parallel_loop3A_178] {strides = array<i32>} : memref<4096x16xi32, #tpu.memory_space<vmem>>, vector<16xi32>,
          tpu.vector_store %arg4[%parallel_loop3A_177, %parallel_loop3A_178], %parallel_loop3A_176 {strides = array<i32>} : memref<4096x16xi32, #tpu.memory_space<vmem>>, vector<16xi32>,
          %parallel_loop3A_180 = arith.constant 21 : i32
          %parallel_loop3A_181 = vector.broadcast %parallel_loop3A_180 : i32 to vector<16xi32>
          %parallel_loop3A_182 = arith.shrsi %parallel_loop3A_176, %parallel_loop3A_181 : vector<16xi32>
          %parallel_loop3A_183 = arith.constant 1024 : i32
          %parallel_loop3A_184 = vector.broadcast %parallel_loop3A_183 : i32 to vector<16xi32>
          %parallel_loop3A_185 = arith.addi %parallel_loop3A_182, %parallel_loop3A_184 : vector<16xi32>
          tpu.vector_store_idx %arg5[%parallel_loop3A_185, %iota3A], %broadcast_in_dim3A_1 {add = true} : memref<2048x16xi32, #tpu.memory_space<vmem>>[vector<16xi32>, vector<16xi32>], vector<16xi32>,
        } {sc.loop_unroll_factor = 8 : i64, sc.parallel_access}
        %scan3A_165 = arith.constant 0 : i32
        scf.yield %scan3A_165 : i32
      }
      %scan3A_66 = arith.constant 32 : i32
      %broadcast_in_dim3A_67 = arith.constant 2047 : i32
      %broadcast_in_dim3A_68 = vector.broadcast %broadcast_in_dim3A_67 : i32 to vector<16xi32>
      %broadcast_in_dim3A_69 = arith.constant 0 : i32
      %broadcast_in_dim3A_70 = vector.broadcast %broadcast_in_dim3A_69 : i32 to vector<16xi32>
      %parallel_loop3A_71 = arith.constant 0 : i32
      %parallel_loop3A_72 = arith.constant 2048 : i32
      %parallel_loop3A_73 = arith.constant 1 : i32
      %parallel_loop3A_74:3 = scf.for %parallel_loop3A_145 = %parallel_loop3A_71 to %parallel_loop3A_72 step %parallel_loop3A_73 iter_args(%parallel_loop3A_146 = %broadcast_in_dim3A_70, %parallel_loop3A_147 = %broadcast_in_dim3A_70, %parallel_loop3A_148 = %broadcast_in_dim3A_70) -> (vector<16xi32>, vector<16xi32>, vector<16xi32>)  : i32 {
        %parallel_loop3A_149 = arith.index_cast %parallel_loop3A_145 : i32 to index
        %parallel_loop3A_150 = arith.constant 0 : index
        %parallel_loop3A_151 = tpu.vector_load %arg5[%parallel_loop3A_149, %parallel_loop3A_150] {strides = array<i32>} : memref<2048x16xi32, #tpu.memory_space<vmem>>, vector<16xi32>,
        %parallel_loop3A_152 = arith.index_cast %parallel_loop3A_145 : i32 to index
        %parallel_loop3A_153 = arith.constant 0 : index
        %parallel_loop3A_154 = tpu.vector_load %arg5[%parallel_loop3A_152, %parallel_loop3A_153] {strides = array<i32>} : memref<2048x16xi32, #tpu.memory_space<vmem>>, vector<16xi32>,
        tpu.vector_store %arg5[%parallel_loop3A_152, %parallel_loop3A_153], %broadcast_in_dim3A_70 {strides = array<i32>} : memref<2048x16xi32, #tpu.memory_space<vmem>>, vector<16xi32>,
        %parallel_loop3A_155 = arith.addi %parallel_loop3A_146, %parallel_loop3A_151 : vector<16xi32>
        %parallel_loop3A_156 = arith.cmpi sle, %parallel_loop3A_155, %broadcast_in_dim3A_68 : vector<16xi32>
        %parallel_loop3A_157 = arith.extui %parallel_loop3A_156 : vector<16xi1> to vector<16xi32>
        %parallel_loop3A_158 = arith.addi %parallel_loop3A_147, %parallel_loop3A_157 : vector<16xi32>
        %parallel_loop3A_159 = arith.select %parallel_loop3A_156, %parallel_loop3A_155, %parallel_loop3A_148 : vector<16xi1>, vector<16xi32>
        scf.yield %parallel_loop3A_155, %parallel_loop3A_158, %parallel_loop3A_159 : vector<16xi32>, vector<16xi32>, vector<16xi32>
      } {sc.loop_unroll_factor = 16 : i64, sc.parallel_access}
      %sub3A_75 = arith.constant 1024 : i32
      %sub3A_76 = vector.broadcast %sub3A_75 : i32 to vector<16xi32>
      %sub3A_77 = arith.subi %parallel_loop3A_74#1, %sub3A_76 : vector<16xi32>
      %broadcast_in_dim3A_78 = arith.constant 2047 : i32
      %broadcast_in_dim3A_79 = vector.broadcast %broadcast_in_dim3A_78 : i32 to vector<16xi32>
      %sub3A_80 = arith.subi %broadcast_in_dim3A_79, %parallel_loop3A_74#2 : vector<16xi32>
      %parallel_loop3A_81 = arith.constant 0 : i32
      %parallel_loop3A_82 = arith.constant 4096 : i32
      %parallel_loop3A_83 = arith.constant 1 : i32
      scf.for %parallel_loop3A_145 = %parallel_loop3A_81 to %parallel_loop3A_82 step %parallel_loop3A_83  : i32 {
        %parallel_loop3A_146 = arith.index_cast %parallel_loop3A_145 : i32 to index
        %parallel_loop3A_147 = arith.constant 0 : index
        %parallel_loop3A_148 = tpu.vector_load %arg4[%parallel_loop3A_146, %parallel_loop3A_147] {strides = array<i32>} : memref<4096x16xi32, #tpu.memory_space<vmem>>, vector<16xi32>,
        %parallel_loop3A_149 = arith.constant 21 : i32
        %parallel_loop3A_150 = vector.broadcast %parallel_loop3A_149 : i32 to vector<16xi32>
        %parallel_loop3A_151 = arith.shrsi %parallel_loop3A_148, %parallel_loop3A_150 : vector<16xi32>
        %parallel_loop3A_152 = arith.cmpi eq, %parallel_loop3A_151, %sub3A_77 : vector<16xi32>
        %parallel_loop3A_153 = arith.constant 10 : i32
        %parallel_loop3A_154 = vector.broadcast %parallel_loop3A_153 : i32 to vector<16xi32>
        %parallel_loop3A_155 = arith.shrsi %parallel_loop3A_148, %parallel_loop3A_154 : vector<16xi32>
        %parallel_loop3A_156 = arith.constant 2047 : i32
        %parallel_loop3A_157 = vector.broadcast %parallel_loop3A_156 : i32 to vector<16xi32>
        %parallel_loop3A_158 = arith.andi %parallel_loop3A_155, %parallel_loop3A_157 : vector<16xi32>
        tpu.vector_store_idx %arg5[%parallel_loop3A_158, %iota3A], %broadcast_in_dim3A_1 masked %parallel_loop3A_152 {add = true} : memref<2048x16xi32, #tpu.memory_space<vmem>>[vector<16xi32>, vector<16xi32>], vector<16xi32>, vector<16xi1>
      } {sc.loop_unroll_factor = 8 : i64, sc.parallel_access}
      %broadcast_in_dim3A_84 = arith.constant 0 : i32
      %broadcast_in_dim3A_85 = vector.broadcast %broadcast_in_dim3A_84 : i32 to vector<16xi32>
      %parallel_loop3A_86 = arith.constant 0 : i32
      %parallel_loop3A_87 = arith.constant 2048 : i32
      %parallel_loop3A_88 = arith.constant 1 : i32
      %parallel_loop3A_89:3 = scf.for %parallel_loop3A_145 = %parallel_loop3A_86 to %parallel_loop3A_87 step %parallel_loop3A_88 iter_args(%parallel_loop3A_146 = %broadcast_in_dim3A_85, %parallel_loop3A_147 = %broadcast_in_dim3A_85, %parallel_loop3A_148 = %broadcast_in_dim3A_85) -> (vector<16xi32>, vector<16xi32>, vector<16xi32>)  : i32 {
        %parallel_loop3A_149 = arith.index_cast %parallel_loop3A_145 : i32 to index
        %parallel_loop3A_150 = arith.constant 0 : index
        %parallel_loop3A_151 = tpu.vector_load %arg5[%parallel_loop3A_149, %parallel_loop3A_150] {strides = array<i32>} : memref<2048x16xi32, #tpu.memory_space<vmem>>, vector<16xi32>,
        %parallel_loop3A_152 = arith.index_cast %parallel_loop3A_145 : i32 to index
        %parallel_loop3A_153 = arith.constant 0 : index
        %parallel_loop3A_154 = tpu.vector_load %arg5[%parallel_loop3A_152, %parallel_loop3A_153] {strides = array<i32>} : memref<2048x16xi32, #tpu.memory_space<vmem>>, vector<16xi32>,
        tpu.vector_store %arg5[%parallel_loop3A_152, %parallel_loop3A_153], %broadcast_in_dim3A_85 {strides = array<i32>} : memref<2048x16xi32, #tpu.memory_space<vmem>>, vector<16xi32>,
        %parallel_loop3A_155 = arith.addi %parallel_loop3A_146, %parallel_loop3A_151 : vector<16xi32>
        %parallel_loop3A_156 = arith.cmpi sle, %parallel_loop3A_155, %sub3A_80 : vector<16xi32>
        %parallel_loop3A_157 = arith.extui %parallel_loop3A_156 : vector<16xi1> to vector<16xi32>
        %parallel_loop3A_158 = arith.addi %parallel_loop3A_147, %parallel_loop3A_157 : vector<16xi32>
        %parallel_loop3A_159 = arith.select %parallel_loop3A_156, %parallel_loop3A_155, %parallel_loop3A_148 : vector<16xi1>, vector<16xi32>
        scf.yield %parallel_loop3A_155, %parallel_loop3A_158, %parallel_loop3A_159 : vector<16xi32>, vector<16xi32>, vector<16xi32>
      } {sc.loop_unroll_factor = 16 : i64, sc.parallel_access}
      %shift_left3A = arith.constant 11 : i32
      %shift_left3A_90 = vector.broadcast %shift_left3A : i32 to vector<16xi32>
      %shift_left3A_91 = arith.shli %sub3A_77, %shift_left3A_90 : vector<16xi32>
      %or3A = arith.ori %shift_left3A_91, %parallel_loop3A_89#1 : vector<16xi32>
      %sub3A_92 = arith.subi %sub3A_80, %parallel_loop3A_89#2 : vector<16xi32>
      %broadcast_in_dim3A_93 = arith.constant 2147483647 : i32
      %broadcast_in_dim3A_94 = vector.broadcast %broadcast_in_dim3A_93 : i32 to vector<16xi32>
      %parallel_loop3A_95 = arith.constant 0 : i32
      %parallel_loop3A_96 = arith.constant 4096 : i32
      %parallel_loop3A_97 = arith.constant 1 : i32
      %parallel_loop3A_98 = scf.for %parallel_loop3A_145 = %parallel_loop3A_95 to %parallel_loop3A_96 step %parallel_loop3A_97 iter_args(%parallel_loop3A_146 = %broadcast_in_dim3A_94) -> (vector<16xi32>)  : i32 {
        %parallel_loop3A_147 = arith.index_cast %parallel_loop3A_145 : i32 to index
        %parallel_loop3A_148 = arith.constant 0 : index
        %parallel_loop3A_149 = tpu.vector_load %arg4[%parallel_loop3A_147, %parallel_loop3A_148] {strides = array<i32>} : memref<4096x16xi32, #tpu.memory_space<vmem>>, vector<16xi32>,
        %parallel_loop3A_150 = arith.constant 10 : i32
        %parallel_loop3A_151 = vector.broadcast %parallel_loop3A_150 : i32 to vector<16xi32>
        %parallel_loop3A_152 = arith.shrsi %parallel_loop3A_149, %parallel_loop3A_151 : vector<16xi32>
        %parallel_loop3A_153 = arith.cmpi eq, %parallel_loop3A_152, %or3A : vector<16xi32>
        %parallel_loop3A_154 = arith.constant 1023 : i32
        %parallel_loop3A_155 = vector.broadcast %parallel_loop3A_154 : i32 to vector<16xi32>
        %parallel_loop3A_156 = arith.andi %parallel_loop3A_149, %parallel_loop3A_155 : vector<16xi32>
        tpu.vector_store_idx %arg5[%parallel_loop3A_156, %iota3A], %broadcast_in_dim3A_1 masked %parallel_loop3A_153 {add = true} : memref<2048x16xi32, #tpu.memory_space<vmem>>[vector<16xi32>, vector<16xi32>], vector<16xi32>, vector<16xi1>
        %parallel_loop3A_157 = arith.cmpi sgt, %parallel_loop3A_152, %or3A : vector<16xi32>
        %parallel_loop3A_158 = arith.constant 2147483647 : i32
        %parallel_loop3A_159 = vector.broadcast %parallel_loop3A_158 : i32 to vector<16xi32>
        %parallel_loop3A_160 = arith.select %parallel_loop3A_157, %parallel_loop3A_149, %parallel_loop3A_159 : vector<16xi1>, vector<16xi32>
        %parallel_loop3A_161 = arith.minsi %parallel_loop3A_146, %parallel_loop3A_160 : vector<16xi32>
        scf.yield %parallel_loop3A_161 : vector<16xi32>
      } {sc.loop_unroll_factor = 8 : i64, sc.parallel_access}
      %parallel_loop3A_99 = arith.constant 0 : i32
      %parallel_loop3A_100 = arith.constant 1024 : i32
      %parallel_loop3A_101 = arith.constant 1 : i32
      %parallel_loop3A_102:5 = scf.for %parallel_loop3A_145 = %parallel_loop3A_99 to %parallel_loop3A_100 step %parallel_loop3A_101 iter_args(%parallel_loop3A_146 = %broadcast_in_dim3A_3, %parallel_loop3A_147 = %broadcast_in_dim3A_3, %parallel_loop3A_148 = %broadcast_in_dim3A_3, %parallel_loop3A_149 = %broadcast_in_dim3A_94, %parallel_loop3A_150 = %broadcast_in_dim3A_94) -> (vector<16xi32>, vector<16xi32>, vector<16xi32>, vector<16xi32>, vector<16xi32>)  : i32 {
        %parallel_loop3A_151 = arith.index_cast %parallel_loop3A_145 : i32 to index
        %parallel_loop3A_152 = arith.constant 0 : index
        %parallel_loop3A_153 = tpu.vector_load %arg5[%parallel_loop3A_151, %parallel_loop3A_152] {strides = array<i32>} : memref<2048x16xi32, #tpu.memory_space<vmem>>, vector<16xi32>,
        %parallel_loop3A_154 = arith.index_cast %parallel_loop3A_145 : i32 to index
        %parallel_loop3A_155 = arith.constant 0 : index
        %parallel_loop3A_156 = tpu.vector_load %arg5[%parallel_loop3A_154, %parallel_loop3A_155] {strides = array<i32>} : memref<2048x16xi32, #tpu.memory_space<vmem>>, vector<16xi32>,
        tpu.vector_store %arg5[%parallel_loop3A_154, %parallel_loop3A_155], %broadcast_in_dim3A_3 {strides = array<i32>} : memref<2048x16xi32, #tpu.memory_space<vmem>>, vector<16xi32>,
        %parallel_loop3A_157 = arith.addi %parallel_loop3A_146, %parallel_loop3A_153 : vector<16xi32>
        %parallel_loop3A_158 = arith.cmpi sle, %parallel_loop3A_157, %sub3A_92 : vector<16xi32>
        %parallel_loop3A_159 = arith.extui %parallel_loop3A_158 : vector<16xi1> to vector<16xi32>
        %parallel_loop3A_160 = arith.addi %parallel_loop3A_147, %parallel_loop3A_159 : vector<16xi32>
        %parallel_loop3A_161 = arith.select %parallel_loop3A_158, %parallel_loop3A_157, %parallel_loop3A_148 : vector<16xi1>, vector<16xi32>
        %parallel_loop3A_162 = arith.constant 2147483647 : i32
        %parallel_loop3A_163 = vector.broadcast %parallel_loop3A_162 : i32 to vector<16xi32>
        %parallel_loop3A_164 = arith.select %parallel_loop3A_158, %parallel_loop3A_163, %parallel_loop3A_157 : vector<16xi1>, vector<16xi32>
        %parallel_loop3A_165 = arith.minsi %parallel_loop3A_149, %parallel_loop3A_164 : vector<16xi32>
        %parallel_loop3A_166 = arith.constant dense<true> : vector<16xi1>
        %parallel_loop3A_167 = arith.xori %parallel_loop3A_158, %parallel_loop3A_166 : vector<16xi1>
        %parallel_loop3A_168 = arith.constant 0 : i32
        %parallel_loop3A_169 = vector.broadcast %parallel_loop3A_168 : i32 to vector<16xi32>
        %parallel_loop3A_170 = arith.cmpi sgt, %parallel_loop3A_153, %parallel_loop3A_169 : vector<16xi32>
        %parallel_loop3A_171 = arith.andi %parallel_loop3A_167, %parallel_loop3A_170 : vector<16xi1>
        %parallel_loop3A_172 = vector.broadcast %parallel_loop3A_145 : i32 to vector<16xi32>
        %parallel_loop3A_173 = arith.cmpi sgt, %parallel_loop3A_172, %parallel_loop3A_160 : vector<16xi32>
        %parallel_loop3A_174 = arith.andi %parallel_loop3A_171, %parallel_loop3A_173 : vector<16xi1>
        %parallel_loop3A_175 = arith.constant 2147483647 : i32
        %parallel_loop3A_176 = vector.broadcast %parallel_loop3A_145 : i32 to vector<16xi32>
        %parallel_loop3A_177 = vector.broadcast %parallel_loop3A_175 : i32 to vector<16xi32>
        %parallel_loop3A_178 = arith.select %parallel_loop3A_174, %parallel_loop3A_176, %parallel_loop3A_177 : vector<16xi1>, vector<16xi32>
        %parallel_loop3A_179 = arith.minsi %parallel_loop3A_150, %parallel_loop3A_178 : vector<16xi32>
        scf.yield %parallel_loop3A_157, %parallel_loop3A_160, %parallel_loop3A_161, %parallel_loop3A_165, %parallel_loop3A_179 : vector<16xi32>, vector<16xi32>, vector<16xi32>, vector<16xi32>, vector<16xi32>
      } {sc.loop_unroll_factor = 8 : i64, sc.parallel_access}
      %shift_left3A_103 = arith.constant 10 : i32
      %shift_left3A_104 = vector.broadcast %shift_left3A_103 : i32 to vector<16xi32>
      %shift_left3A_105 = arith.shli %or3A, %shift_left3A_104 : vector<16xi32>
      %or3A_106 = arith.ori %shift_left3A_105, %parallel_loop3A_102#1 : vector<16xi32>
      %add3A_107 = arith.addi %parallel_loop3A_74#2, %parallel_loop3A_89#2 : vector<16xi32>
      %add3A_108 = arith.addi %add3A_107, %parallel_loop3A_102#3 : vector<16xi32>
      %lt3A_109 = arith.constant 1024 : i32
      %lt3A_110 = vector.broadcast %lt3A_109 : i32 to vector<16xi32>
      %lt3A_111 = arith.cmpi slt, %parallel_loop3A_102#4, %lt3A_110 : vector<16xi32>
      %shift_left3A_112 = arith.constant 10 : i32
      %shift_left3A_113 = vector.broadcast %shift_left3A_112 : i32 to vector<16xi32>
      %shift_left3A_114 = arith.shli %or3A, %shift_left3A_113 : vector<16xi32>
      %jit3A_115 = arith.constant 0 : i32
      %broadcast_in_dim3A_116 = vector.broadcast %jit3A_115 : i32 to vector<16xi32>
      %select_n3A_117 = arith.select %lt3A_111, %parallel_loop3A_102#4, %broadcast_in_dim3A_116 : vector<16xi1>, vector<16xi32>
      %or3A_118 = arith.ori %shift_left3A_114, %select_n3A_117 : vector<16xi32>
      %jit3A_119 = arith.constant 2147483647 : i32
      %broadcast_in_dim3A_120 = vector.broadcast %jit3A_119 : i32 to vector<16xi32>
      %select_n3A_121 = arith.select %lt3A_111, %or3A_118, %broadcast_in_dim3A_120 : vector<16xi1>, vector<16xi32>
      %gt3A = arith.constant 2048 : i32
      %gt3A_122 = vector.broadcast %gt3A : i32 to vector<16xi32>
      %gt3A_123 = arith.cmpi sgt, %add3A_108, %gt3A_122 : vector<16xi32>
      %min3A = arith.minsi %select_n3A_121, %parallel_loop3A_98 : vector<16xi32>
      %select_n3A_124 = arith.select %gt3A_123, %or3A_106, %min3A : vector<16xi1>, vector<16xi32>
      %ge3A = arith.constant 0 : i32
      %ge3A_125 = vector.broadcast %ge3A : i32 to vector<16xi32>
      %ge3A_126 = arith.cmpi sge, %or3A_106, %ge3A_125 : vector<16xi32>
      %xor3A = arith.constant 2147483647 : i32
      %xor3A_127 = vector.broadcast %xor3A : i32 to vector<16xi32>
      %xor3A_128 = arith.xori %or3A_106, %xor3A_127 : vector<16xi32>
      %select_n3A_129 = arith.select %ge3A_126, %or3A_106, %xor3A_128 : vector<16xi1>, vector<16xi32>
      %ge3A_130 = arith.constant 0 : i32
      %ge3A_131 = vector.broadcast %ge3A_130 : i32 to vector<16xi32>
      %ge3A_132 = arith.cmpi sge, %select_n3A_124, %ge3A_131 : vector<16xi32>
      %xor3A_133 = arith.constant 2147483647 : i32
      %xor3A_134 = vector.broadcast %xor3A_133 : i32 to vector<16xi32>
      %xor3A_135 = arith.xori %select_n3A_124, %xor3A_134 : vector<16xi32>
      %select_n3A_136 = arith.select %ge3A_132, %select_n3A_124, %xor3A_135 : vector<16xi1>, vector<16xi32>
      %bitcast_convert_type3A = tpu.bitcast %select_n3A_129 : vector<16xi32> -> vector<16xf32>
      %bitcast_convert_type3A_137 = tpu.bitcast %select_n3A_136 : vector<16xi32> -> vector<16xf32>
      %sub3A_138 = arith.subf %bitcast_convert_type3A_137, %bitcast_convert_type3A : vector<16xf32>
      %mul3A_139 = arith.constant 5.000000e-01 : f32
      %mul3A_140 = vector.broadcast %mul3A_139 : f32 to vector<16xf32>
      %mul3A_141 = arith.mulf %mul3A_140, %sub3A_138 : vector<16xf32>
      %add3A_142 = arith.addf %bitcast_convert_type3A, %mul3A_141 : vector<16xf32>
      %swap3A = arith.constant 0 : index
      %swap3A_143 = tpu.vector_load %arg6[%swap3A] {strides = array<i32>} : memref<16xf32, #tpu.memory_space<vmem>>, vector<16xf32>,
      tpu.vector_store %arg6[%swap3A], %add3A_142 {strides = array<i32>} : memref<16xf32, #tpu.memory_space<vmem>>, vector<16xf32>,
      "tpu.region"() ({
        %run_scoped3A = tpu.sem_alloc : memref<!tpu.dma_semaphore, #tpu.memory_space<semaphore_mem>>
        %dma_start3A = arith.constant 0 : i32
        %dma_start3A_145 = tpu.memref_slice %arg3[%add3A_16, %dma_start3A] : memref<512x16xf32, #tpu.memory_space<hbm>> -> memref<1x16xf32, #tpu.memory_space<hbm>>
        %dma_start3A_146 = tpu.memref_squeeze %dma_start3A_145 : memref<1x16xf32, #tpu.memory_space<hbm>> -> memref<16xf32, #tpu.memory_space<hbm>>
        %dma_start3A_147 = arith.constant 0 : i32
        %dma_start3A_148 = tpu.memref_slice %arg3[%add3A_16, %dma_start3A_147] : memref<512x16xf32, #tpu.memory_space<hbm>> -> memref<1x16xf32, #tpu.memory_space<hbm>>
        %dma_start3A_149 = tpu.memref_squeeze %dma_start3A_148 : memref<1x16xf32, #tpu.memory_space<hbm>> -> memref<16xf32, #tpu.memory_space<hbm>>
        tpu.enqueue_dma source(%arg6 : memref<16xf32, #tpu.memory_space<vmem>>) target(%dma_start3A_149 : memref<16xf32, #tpu.memory_space<hbm>>) target_semaphore(%run_scoped3A : memref<!tpu.dma_semaphore, #tpu.memory_space<semaphore_mem>>)
        %dma_wait3A = arith.constant 0 : i32
        %dma_wait3A_150 = tpu.memref_slice %arg3[%add3A_16, %dma_wait3A] : memref<512x16xf32, #tpu.memory_space<hbm>> -> memref<1x16xf32, #tpu.memory_space<hbm>>
        %dma_wait3A_151 = tpu.memref_squeeze %dma_wait3A_150 : memref<1x16xf32, #tpu.memory_space<hbm>> -> memref<16xf32, #tpu.memory_space<hbm>>
        %dma_wait3A_152 = arith.constant 0 : i32
        %dma_wait3A_153 = tpu.memref_slice %arg3[%add3A_16, %dma_wait3A_152] : memref<512x16xf32, #tpu.memory_space<hbm>> -> memref<1x16xf32, #tpu.memory_space<hbm>>
        %dma_wait3A_154 = tpu.memref_squeeze %dma_wait3A_153 : memref<1x16xf32, #tpu.memory_space<hbm>> -> memref<16xf32, #tpu.memory_space<hbm>>
        tpu.wait_dma2 semaphore(%run_scoped3A : memref<!tpu.dma_semaphore, #tpu.memory_space<semaphore_mem>>) src(%arg6 : memref<16xf32, #tpu.memory_space<vmem>>) dst(%dma_wait3A_154 : memref<16xf32, #tpu.memory_space<hbm>>)
        tpu.yield
      }) : () -> ()
      %scan3A_144 = arith.constant 0 : i32
      scf.yield %scan3A_144 : i32
    }
    %scan3A_11 = arith.constant 16 : i32
    return
  }
}

</mosaic_0001>

<sc_bundles>
// kernel: kernel.3.cloned.1.call-start
scs
__scs_entry_jumppad:
0x0: {  	(pc) =	sbr.rel $0x88, $3  }
0x1: {  	(tag) =	ssettag $0x0;
	lr =	simm.s32 $0x1  }
0x2: {  	[smem:$0x3FA0] =	sst lr;
	_ =	strace $0xD0000000  }
0x3: {  	_ = 	snop  }
0x4: {  	_ = 	snop  }
0x5: {  	_ = 	snop  }
0x6: {  	_ = 	snop  }
0x7: {  	_ = 	snop  }
__scs_overlays_trampoline_lowered:
0x8: {  	[smem:$0x3FAF] =	sst s0  }
0x9: {  	[smem:$0x3FB0] =	sst s1  }
0xa: {  	[smem:$0x3FB1] =	sst s2  }
0xb: {  	[smem:$0x3FB2] =	sst s3  }
0xc: {  	[smem:$0x3FB3] =	sst s4  }
0xd: {  	[smem:$0x3FB4] =	sst s5  }
0xe: {  	[smem:$0x3FB5] =	sst s6  }
0xf: {  	[smem:$0x3FB6] =	sst s7  }
0x10: {  	[smem:$0x3FB7] =	sst s8  }
0x11: {  	[smem:$0x3FB8] =	sst s9;
	s0 =	simm.s32 @!p0 $0x0  }
0x12: {  	s1 =	sld [smem:$0x3F9E];
	s0 =	simm.s32 @p0 $0x1  }
0x13: {  	[smem:$0x3FB9] =	sst s0;
	s0 =	simm.s32 @!p1 $0x0  }
0x14: {  	s2 =	sld [smem:$0x3F9D];
	s0 =	simm.s32 @p1 $0x1  }
0x15: {  	[smem:$0x3FBA] =	sst s0;
	s0 =	simm.s32 @!p2 $0x0  }
0x16: {  	s3 =	sld [smem:$0x3FDB];
	s0 =	simm.s32 @p2 $0x1  }
0x17: {  	s4 =	simm.s32 $0x1BF5;
	[smem:$0x3FBC] =	sst s0  }
0x18: {  	s0 =	sld [smem:$0x3F9F];
	_ =	swait.ge [sflag:s4], $0x0  }
0x19: {  	s7 =	sld [smem:$0x3FA0]  }
0x1a: {  	s8 =	sadd.s32 $0xFFFFE003, lr  }
0x1b: {  	s9 =	sadd.s32 $0xFFFFFEF7, lr;
	s5 =	simm.s32 $0xFFFFFFFF;
	p2 =	slt.u32 s8, $0xFFFFF086  }
0x1c: {  	p1 =	slt.u32 s9, $0xF7A;
	s5 =	simm.s32 @!p2 $0x0  }
0x1d: {  	s5 =	simm.s32 @p1 $0x1;
	p0 =	seq.s32 s7, s2  }
0x1e: {  	s7 =	smul.u32 @!p0 $0xF7A, s2;
	p2 =	seq.s32 @!p0 s5, $0x0  }
0x1f: {  	s9 =	smul.u32 $0xF7A, s1;
	s8 =	simm.s32 @!p0 $0x1BF5;
	p2 =	por !p2, p0  }
0x20: {  	[sflag:s8] =	ssyncset.s32 @!p0 $0xFFFFF086;
	s6 =	sadd.s32 @!p0 s3, s7;
	s7 =	simm.s32 @!p0 $0x108  }
0x21: {  	s3 =	sadd.s32 s3, s9;
	s6 =	sadd.s32 @!p0 $0x88, s6;
	s7 =	simm.s32 @p2 $0x1082  }
0x22: {  	[simem:s7], [sflag:s8] =	dma.local @!p0 [hbm:s6], $0xF7A  }
0x23: {  	s9 =	sor.u32 $0xD0000000, s2;
	s6 =	simm.s32 $0x108;
	_ =	swait.ge @!p0 [sflag:s8], $0x0  }
0x24: {  	s3 =	sadd.s32 $0x88, s3;
	s6 =	simm.s32 @!p1 $0x1082;
	[sflag:s4] =	ssyncset.s32 $0xFFFFF086  }
0x25: {  	[simem:s6], [sflag:s4] =	dma.local [hbm:s3], $0xF7A  }
0x26: {  	[smem:$0x3FA0] =	sst s1;
	(tag) =	ssettag s2;
	_ =	strace s9  }
0x27: {  	s1 =	sld [smem:$0x3FB0]  }
0x28: {  	s2 =	sld [smem:$0x3FB1]  }
0x29: {  	s4 =	sld [smem:$0x3FB3]  }
0x2a: {  	p0 =	seq.s32 s5, $0x0;
	s5 =	sld [smem:$0x3FB4]  }
0x2b: {  	s6 =	sld [smem:$0x3FB5]  }
0x2c: {  	s7 =	sld [smem:$0x3FB6]  }
0x2d: {  	s3 =	simm.s32 $0x108;
	s8 =	sld [smem:$0x3FB7]  }
0x2e: {  	s3 =	simm.s32 @!p0 $0x1082;
	s9 =	sld [smem:$0x3FB8]  }
0x2f: {  	lr =	sadd.s32 s0, s3;
	s0 =	sld [smem:$0x3FAF]  }
0x30: {  	s3 =	sld [smem:$0x3FB2]  }
0x31: {  	[smem:$0x3FBB] =	sst s10  }
0x32: {  	s10 =	sld [smem:$0x3FB9];
	_ =	sdelay $0x3  }
0x33: {  	p0 =	seq.s32 s10, $0x1;
	s10 =	sld [smem:$0x3FBB];
	_ =	sdelay $0x3  }
0x34: {  	[smem:$0x3FBB] =	sst s10  }
0x35: {  	s10 =	sld [smem:$0x3FBA];
	_ =	sdelay $0x3  }
0x36: {  	p1 =	seq.s32 s10, $0x1;
	s10 =	sld [smem:$0x3FBB];
	_ =	sdelay $0x3  }
0x37: {  	[smem:$0x3FBB] =	sst s10  }
0x38: {  	s10 =	sld [smem:$0x3FBC]  }
0x39: {  	_ = 	snop;
	(pc) =	sbr.ind lr, $3  }
0x3a: {  	_ = 	snop  }
0x3b: {  	_ = 	snop  }
0x3c: {  	p2 =	seq.s32 s10, $0x1;
	s10 =	sld [smem:$0x3FBB]  }
0x3d: {  	_ =	shalt  }
0x3e: {  	_ =	shalt  }
0x3f: {  	_ =	shalt  }
0x40: {  	_ =	shalt  }
0x41: {  	_ =	shalt  }
0x42: {  	_ =	shalt  }
0x43: {  	_ =	shalt  }
0x44: {  	_ =	shalt  }
0x45: {  	_ =	shalt  }
0x46: {  	_ =	shalt  }
0x47: {  	_ =	shalt  }
0x48: {  	_ =	shalt  }
0x49: {  	_ =	shalt  }
0x4a: {  	_ =	shalt  }
0x4b: {  	_ =	shalt  }
0x4c: {  	_ =	shalt  }
0x4d: {  	_ =	shalt  }
0x4e: {  	_ =	shalt  }
0x4f: {  	_ =	shalt  }
0x50: {  	_ =	shalt  }
0x51: {  	_ =	shalt  }
0x52: {  	_ =	shalt  }
0x53: {  	_ =	shalt  }
0x54: {  	_ =	shalt  }
0x55: {  	_ =	shalt  }
0x56: {  	_ =	shalt  }
0x57: {  	_ =	shalt  }
0x58: {  	_ =	shalt  }
0x59: {  	_ =	shalt  }
0x5a: {  	_ =	shalt  }
0x5b: {  	_ =	shalt  }
0x5c: {  	_ =	shalt  }
0x5d: {  	_ =	shalt  }
0x5e: {  	_ =	shalt  }
0x5f: {  	_ =	shalt  }
0x60: {  	_ =	shalt  }
0x61: {  	_ =	shalt  }
0x62: {  	_ =	shalt  }
0x63: {  	_ =	shalt  }
0x64: {  	_ =	shalt  }
0x65: {  	_ =	shalt  }
0x66: {  	_ =	shalt  }
0x67: {  	_ =	shalt  }
0x68: {  	_ =	shalt  }
0x69: {  	_ =	shalt  }
0x6a: {  	_ =	shalt  }
0x6b: {  	_ =	shalt  }
0x6c: {  	_ =	shalt  }
0x6d: {  	_ =	shalt  }
0x6e: {  	_ =	shalt  }
0x6f: {  	_ =	shalt  }
0x70: {  	_ =	shalt  }
0x71: {  	_ =	shalt  }
0x72: {  	_ =	shalt  }
0x73: {  	_ =	shalt  }
0x74: {  	_ =	shalt  }
0x75: {  	_ =	shalt  }
0x76: {  	_ =	shalt  }
0x77: {  	_ =	shalt  }
0x78: {  	_ =	shalt  }
0x79: {  	_ =	shalt  }
0x7a: {  	_ =	shalt  }
0x7b: {  	_ =	shalt  }
0x7c: {  	_ =	shalt  }
0x7d: {  	_ =	shalt  }
0x7e: {  	_ =	shalt  }
0x7f: {  	_ =	shalt  }
0x80: {  	_ =	shalt  }
0x81: {  	_ =	shalt  }
0x82: {  	_ =	shalt  }
0x83: {  	_ =	shalt  }
0x84: {  	_ =	shalt  }
0x85: {  	_ =	shalt  }
0x86: {  	_ =	shalt  }
0x87: {  	_ =	shalt  }
.Lfunc_end0:
.L_simem_size_0:
called_computation_lowered:
.L_overlay_start_0:
0x88: {  	s2 =	sld [smem:$0x3FD9]  }
0x89: {  	s3 =	sld [smem:$0x3FFE];
	_ =	sdelay $0x1  }
0x8a: {  	s1 =	srdreg.scid  }
0x8b: {  	s0 =	sand.u32 $0x1, s1  }
0x8c: {  	s17 =	sshll.u32 s0, $0xA;
	s2 =	sadd.s32 s3, s2  }
0x8d: {  	s2 =	sadd.s32 s2, s17  }
0x8e: {  	[smem:$0x3FC7] =	sst s2  }
0x8f: {  	_ = 	snop  }
0x90: {  	s2 =	sld [smem:$0x3FD0];
	(tm) =	ssettm $0x1  }
0x91: {  	s18 =	sld [smem:$0x3FFB];
	_ =	sdelay $0x3  }
0x92: {  	_ =	strace s18  }
0x93: {  	s3 =	sld [smem:$0x3FFC];
	_ =	sdelay $0x3  }
0x94: {  	_ =	strace s3  }
0x95: {  	s3 =	sld [smem:$0x3FFD];
	_ =	sdelay $0x3  }
0x96: {  	_ =	strace s3  }
0x97: {  	_ =	strace $0x8FFFFFFF  }
0x98: {  	s19 =	sld [smem:$0x3FDB];
	_ =	sdelay $0x1  }
0x99: {  	s4 =	simm.s32 $_scs_section_size  }
0x9a: {  	s5 =	simm.s32 $_size__tile_overlayer_lowered;
	s6 =	simm.s32 $_tile_overlayer_lowered  }
0x9b: {  	s22 =	simm.s32 $0x1BFF;
	s21 =	sshll.u32 s6, $0x1;
	s3 =	sadd.s32 s4, s19  }
0x9c: {  	s7 =	simm.s32 $0x0;
	s20 =	sshll.u32 s5, $0x1;
	s5 =	sadd.s32 s21, s3  }
0x9d: {  	[timem:s7], [sflag:s22] =	dma.local [hbm:s5], s20  }
0x9e: {  	_ =	swait.ge [sflag:s22], s20  }
0x9f: {  	s4 =	ssub.s32 $0x0, s20;
	[sflag:s22] =	ssyncset.done $0x0  }
0xa0: {  	[sflag:s22] =	ssyncadd.s32 s4;
	_ =	sdelay $0x1  }
0xa1: {  	s23 =	simm.s32 $0x1B8B  }
0xa2: {  	_ =	swait.ge [sflag:s23], $0x1  }
0xa3: {  	[sflag:s23] =	ssyncset.done $0x0  }
0xa4: {  	s25 =	simm.s32 $0x1B8E;
	s24 =	sld [smem:$0x3FFE];
	[sflag:s23] =	ssyncadd.s32 $0xFFFFFFFF  }
0xa5: {  	s26 =	simm.s32 $execute0_lowered;
	[smem:$0x3FD2] =	sst s25  }
0xa6: {  	s5 =	sshll.u32 s26, $0x1;
	_ =	strace $0x80000046;
	[dreg:$0x1] =	wrdreg $0xFFFFFFFF  }
0xa7: {  	s28 =	simm.s32 $_size_execute0_lowered;
	s3 =	sadd.s32 s3, s5;
	[dreg:$0x0] =	wrdreg $0x0  }
0xa8: {  	s5 =	sshll.u32 s28, $0x1;
	[dreg:$0x2] =	wrdreg s3  }
0xa9: {  	[dreg:$0x3] =	wrdreg s5  }
0xaa: {  	[dreg:$0x4] =	wrdreg $0xC0  }
0xab: {  	_ =	task [dreg:s7], $0x5FFFF  }
0xac: {  	[dreg:$0x1] =	wrdreg $0xFFFFFFFF  }
0xad: {  	[dreg:$0x0] =	wrdreg $0x60  }
0xae: {  	[dreg:$0x2] =	wrdreg s24  }
0xaf: {  	[dreg:$0x3] =	wrdreg s2  }
0xb0: {  	[dreg:$0x4] =	wrdreg $0x9  }
0xb1: {  	_ =	task.clear_ibuf [dreg:s7], $0x5FFFF;
	_ =	strace $0x90000046  }
0xb2: {  	s29 =	simm.s32 $0x9;
	_ =	strace $0x80000048  }
0xb3: {  	_ =	swait.ge [sflag:s29], $0x1  }
0xb4: {  	[sflag:s29] =	ssyncadd.s32 $0xFFFFFFFF  }
0xb5: {  	_ =	strace $0x90000048  }
0xb6: {  	_ =	sfence  }
0xb7: {  	s30 =	sld [smem:$0x0];
	_ =	sdelay $0x2  }
0xb8: {  	s31 =	sshll.u32 s1, $0xD;
	s1 =	sshrl.u32 s1, $0x2  }
0xb9: {  	s3 =	sand.u32 $0x4000, s31;
	s1 =	sadd.s32 s1, s30  }
0xba: {  	s0 =	sor.u32 s3, s0;
	s1 =	sshll.u32 s1, $0x11  }
0xbb: {  	s0 =	sor.u32 s1, s0  }
0xbc: {  	s0 =	sadd.s32 $0x8F2B, s0  }
0xbd: {  	[sflag:s0] =	ssyncadd.remote.s32 $0x1  }
0xbe: {  	_ =	sfence.sel $0xFFFF  }
0xbf: {  	[dreg:$0x0] =	wrdreg $0xFFFFFFFF;
	(pc) =	sbr.abs _section_cstart, $3  }
0xc0: {  	[dreg:$0x1] =	wrdreg $0xFFFFFFFF  }
0xc1: {  	_ =	task.clear_ibuf [dreg:s7], $0x2FFFF;
	_ =	strace $0x9FFFFFFF  }
0xc2: {  	(tm) =	ssettm $0x7FFFFFFF  }
0xc3: {  	_ =	shalt  }
tec
execute0_lowered:
.L_overlay_start_1:
0x0: {  	(tag) =	ssettag $0x1  }
0x1: {  	s0 =	rddreg [dreg:$0x0];
	s1 =	srdreg.scid  }
0x2: {  	s2 =	simm.s32 $0x0;
	s4 =	stileid.u32;
	s7 =	simm.s32 $0x1  }
0x3: {  	s8 =	simm.s32 $0x80;
	s9 =	simm.s32 $0xD800;
	s10 =	simm.s32 $0x18E10  }
0x4: {  	s11 =	simm.s32 $0xE000;
	s12 =	simm.s32 $0x18E90;
	s13 =	simm.s32 $0xE800  }
0x5: {  	s14 =	simm.s32 $0x18F10;
	s15 =	simm.s32 $0xF000;
	s16 =	simm.s32 $0x18F90  }
0x6: {  	s17 =	simm.s32 $0xF800;
	s18 =	simm.s32 $0x10000;
	s1 =	sand.u32 $0x1, s1  }
0x7: {  	s19 =	simm.s32 $0x18000;
	s20 =	simm.s32 $0x2;
	s29 =	ssub.s32 $0x2, s1  }
0x8: {  	[smem:$0x7FF] =	sst s2;
	s30 =	sshll.u32 s4, $0x5;
	s3 =	sshrl.u32 s29, $0x1  }
0x9: {  	s4 =	sadd.s32 $0x400, s0;
	s1 =	sshll.u32 s1, $0x4;
	s2 =	ssub.s32 s29, s3  }
0xa: {  	v0 =	vimm.s32 $0x0;
	v1 =	vlaneseq.u32;
	_ =	strace $0x80000047;
	s22 =	sor.u32 s1, s30;
	s31 =	smax.u32 s2, $0x1  }
0xb: {  	v4 =	vimm.s32 $0x1;
	v2 =	vmul.u32 $0x8, v1;
	v3 =	vor.u32 $0x4000, v1;
	s1 =	simm.s32 $0x0;
	s2 =	simm.s32 $0x18D90;
	[dreg:$0x3] =	wrdreg s31  }
.LBB2_1:
0xc: {  	[dreg:$0x4] =	wrdreg s1;
	s0 =	simm.s32 $0x10040  }
0xd: {  	[tilespmem:s0+$0xFFFFFFC0] =	vst v0  }
0xe: {  	[tilespmem:s0+$0x30] =	vst v0  }
0xf: {  	[tilespmem:s0+$0x20] =	vst v0  }
0x10: {  	[tilespmem:s0+$0x10] =	vst v0  }
0x11: {  	[tilespmem:s0+$0x0] =	vst v0  }
0x12: {  	[tilespmem:s0+$0xFFFFFFF0] =	vst v0  }
0x13: {  	s1 =	simm.s32 $0x0;
	[tilespmem:s0+$0xFFFFFFE0] =	vst v0  }
.LBB2_2:
0x14: {  	s1 =	sadd.s32 $0x8, s1;
	[tilespmem:s0+$0xFFFFFFD0] =	vst v0;
	s0 =	sadd.s32 $0x80, s0  }
0x15: {  	[tilespmem:s0+$0xFFFFFFC0] =	vst v0;
	p0 =	slt.u32 s1, $0x7F8  }
0x16: {  	[tilespmem:s0+$0x30] =	vst v0  }
.Ltmp0:
0x17: {  	[tilespmem:s0+$0x20] =	vst v0;
	(pc) =	sbr.rel @p0 .LBB2_2-.Ltmp0, $4  }
0x18: {  	[tilespmem:s0+$0x10] =	vst v0  }
0x19: {  	[tilespmem:s0+$0x0] =	vst v0  }
0x1a: {  	[tilespmem:s0+$0xFFFFFFF0] =	vst v0  }
0x1b: {  	[tilespmem:s0+$0xFFFFFFE0] =	vst v0  }
0x1c: {  	[tilespmem:s0+$0xFFFFFFD0] =	vst v0;
	s21 =	simm.s32 $0x0;
	s5 =	smov.u32 s22;
	s23 =	simm.s32 $0x0  }
.LBB2_4:
0x1d: {  	s24 =	sadd.s32 s22, s23;
	s0 =	sand.u32 $0x7, s23  }
0x1e: {  	p0 =	seq.s32 s24, $0x0;
	p1 =	sne.s32 s0, $0x0  }
0x1f: {  	p0 =	por !p0, !p1  }
0x20: {  	s0 =	simm.s32 $0x1;
	p0 =	por !p0, !p0  }
0x21: {  	s1 =	sshrl.u32 s5, $0x3;
	s0 =	simm.s32 @!p0 $0x0  }
0x22: {  	s0 =	ssub.s32 s1, s0  }
0x23: {  	s31 =	sand.u32 $0x7, s21;
	s0 =	sshll.u32 s0, $0xF  }
0x24: {  	s1 =	sor.u32 s31, s0;
	s0 =	simm.s32 $0x18030  }
0x25: {  	v5 =	vor.u32 s1, v2;
	s6 =	sadd.s32 $0x80, s1;
	s25 =	sadd.s32 $0x100, s1;
	s26 =	sadd.s32 $0x180, s1  }
0x26: {  	s3 =	simm.s32 $0x0;
	[tilespmem:s0+$0xFFFFFFE0] =	vst v5;
	v6 =	vor.u32 s6, v2;
	v5 =	vor.u32 s25, v2;
	v7 =	vor.u32 s26, v2;
	s6 =	simm.s32 $0x18030  }
.LBB2_5:
0x27: {  	s3 =	sadd.s32 $0x4, s3  }
0x28: {  	[tilespmem:s0+$0x10] =	vst v7;
	s1 =	sadd.s32 $0x200, s1;
	s6 =	sadd.s32 $0x40, s6;
	p0 =	slt.u32 s3, $0xFC  }
.Ltmp1:
0x29: {  	[tilespmem:s0+$0xFFFFFFF0] =	vst v6;
	(pc) =	sbr.rel @p0 .LBB2_5-.Ltmp1, $3  }
0x2a: {  	[tilespmem:s0+$0x0] =	vst v5;
	s0 =	smov.u32 s6;
	_ =	sdelay $0x1  }
0x2b: {  	s25 =	sadd.s32 $0x80, s1;
	s26 =	sadd.s32 $0x100, s1;
	s28 =	sadd.s32 $0x180, s1;
	v5 =	vor.u32 s1, v2  }
0x2c: {  	v6 =	vor.u32 s25, v2;
	v7 =	vor.u32 s28, v2;
	[tilespmem:s6+$0xFFFFFFE0] =	vst v5;
	v5 =	vor.u32 s26, v2  }
0x2d: {  	[tilespmem:s0+$0x10] =	vst v7  }
0x2e: {  	[tilespmem:s0+$0xFFFFFFF0] =	vst v6  }
0x2f: {  	[tilespmem:s0+$0x0] =	vst v5;
	s25 =	simm.s32 $0x0;
	s28 =	simm.s32 $0x18010  }
0x30: {  	[tilespmem:s25], [sflag:$0x1] =	stream.indirect.gather [hbm4b:s4+s8], $0x10, s28, s8, $0xb8;
	[tilespmem:$0x19010] =	vst v63  }
0x31: {  	s29 =	simm.s32 $0x18090;
	s1 =	simm.s32 $0x800  }
0x32: {  	[tilespmem:s1], [sflag:$0x1] =	stream.indirect.gather [hbm4b:s4+s8], $0x10, s29, s8, $0xb8;
	[tilespmem:$0x19010] =	vst v63  }
0x33: {  	s30 =	simm.s32 $0x18110;
	s31 =	simm.s32 $0x1000  }
0x34: {  	[tilespmem:s31], [sflag:$0x1] =	stream.indirect.gather [hbm4b:s4+s8], $0x10, s30, s8, $0xb8;
	[tilespmem:$0x19010] =	vst v63  }
0x35: {  	s3 =	simm.s32 $0x1800;
	s1 =	simm.s32 $0x18190  }
0x36: {  	[tilespmem:s3], [sflag:$0x1] =	stream.indirect.gather [hbm4b:s4+s8], $0x10, s1, s8, $0xb8;
	[tilespmem:$0x19010] =	vst v63  }
0x37: {  	s6 =	simm.s32 $0x18210;
	s26 =	simm.s32 $0x2000  }
0x38: {  	[tilespmem:s26], [sflag:$0x1] =	stream.indirect.gather [hbm4b:s4+s8], $0x10, s6, s8, $0xb8;
	[tilespmem:$0x19010] =	vst v63  }
0x39: {  	s28 =	simm.s32 $0x18290;
	s29 =	simm.s32 $0x2800  }
0x3a: {  	[tilespmem:s29], [sflag:$0x1] =	stream.indirect.gather [hbm4b:s4+s8], $0x10, s28, s8, $0xb8;
	[tilespmem:$0x19010] =	vst v63  }
0x3b: {  	s30 =	simm.s32 $0x18310;
	s31 =	simm.s32 $0x3000  }
0x3c: {  	[tilespmem:s31], [sflag:$0x1] =	stream.indirect.gather [hbm4b:s4+s8], $0x10, s30, s8, $0xb8;
	[tilespmem:$0x19010] =	vst v63  }
0x3d: {  	s1 =	simm.s32 $0x18390;
	s3 =	simm.s32 $0x3800  }
0x3e: {  	[tilespmem:s3], [sflag:$0x1] =	stream.indirect.gather [hbm4b:s4+s8], $0x10, s1, s8, $0xb8;
	[tilespmem:$0x19010] =	vst v63  }
0x3f: {  	s6 =	simm.s32 $0x18410;
	s26 =	simm.s32 $0x4000  }
0x40: {  	[tilespmem:s26], [sflag:$0x1] =	stream.indirect.gather [hbm4b:s4+s8], $0x10, s6, s8, $0xb8;
	[tilespmem:$0x19010] =	vst v63  }
0x41: {  	s28 =	simm.s32 $0x18490;
	s29 =	simm.s32 $0x4800  }
0x42: {  	[tilespmem:s29], [sflag:$0x1] =	stream.indirect.gather [hbm4b:s4+s8], $0x10, s28, s8, $0xb8;
	[tilespmem:$0x19010] =	vst v63  }
0x43: {  	s30 =	simm.s32 $0x18510;
	s31 =	simm.s32 $0x5000  }
0x44: {  	[tilespmem:s31], [sflag:$0x1] =	stream.indirect.gather [hbm4b:s4+s8], $0x10, s30, s8, $0xb8;
	[tilespmem:$0x19010] =	vst v63  }
0x45: {  	s1 =	simm.s32 $0x18590;
	s3 =	simm.s32 $0x5800  }
0x46: {  	[tilespmem:s3], [sflag:$0x1] =	stream.indirect.gather [hbm4b:s4+s8], $0x10, s1, s8, $0xb8;
	[tilespmem:$0x19010] =	vst v63  }
0x47: {  	s6 =	simm.s32 $0x18610;
	s26 =	simm.s32 $0x6000  }
0x48: {  	[tilespmem:s26], [sflag:$0x1] =	stream.indirect.gather [hbm4b:s4+s8], $0x10, s6, s8, $0xb8;
	[tilespmem:$0x19010] =	vst v63  }
0x49: {  	s28 =	simm.s32 $0x18690;
	s29 =	simm.s32 $0x6800  }
0x4a: {  	[tilespmem:s29], [sflag:$0x1] =	stream.indirect.gather [hbm4b:s4+s8], $0x10, s28, s8, $0xb8;
	[tilespmem:$0x19010] =	vst v63  }
0x4b: {  	s30 =	simm.s32 $0x18710;
	s31 =	simm.s32 $0x7000  }
0x4c: {  	[tilespmem:s31], [sflag:$0x1] =	stream.indirect.gather [hbm4b:s4+s8], $0x10, s30, s8, $0xb8;
	[tilespmem:$0x19010] =	vst v63  }
0x4d: {  	s1 =	simm.s32 $0x18790;
	s3 =	simm.s32 $0x7800  }
0x4e: {  	[tilespmem:s3], [sflag:$0x1] =	stream.indirect.gather [hbm4b:s4+s8], $0x10, s1, s8, $0xb8;
	[tilespmem:$0x19010] =	vst v63  }
0x4f: {  	s6 =	simm.s32 $0x18810;
	s26 =	simm.s32 $0x8000  }
0x50: {  	[tilespmem:s26], [sflag:$0x1] =	stream.indirect.gather [hbm4b:s4+s8], $0x10, s6, s8, $0xb8;
	[tilespmem:$0x19010] =	vst v63  }
0x51: {  	s28 =	simm.s32 $0x18890;
	s29 =	simm.s32 $0x8800  }
0x52: {  	[tilespmem:s29], [sflag:$0x1] =	stream.indirect.gather [hbm4b:s4+s8], $0x10, s28, s8, $0xb8;
	[tilespmem:$0x19010] =	vst v63  }
0x53: {  	s30 =	simm.s32 $0x18910;
	s31 =	simm.s32 $0x9000  }
0x54: {  	[tilespmem:s31], [sflag:$0x1] =	stream.indirect.gather [hbm4b:s4+s8], $0x10, s30, s8, $0xb8;
	[tilespmem:$0x19010] =	vst v63  }
0x55: {  	s1 =	simm.s32 $0x18990;
	s3 =	simm.s32 $0x9800  }
0x56: {  	[tilespmem:s3], [sflag:$0x1] =	stream.indirect.gather [hbm4b:s4+s8], $0x10, s1, s8, $0xb8;
	[tilespmem:$0x19010] =	vst v63  }
0x57: {  	s6 =	simm.s32 $0x18A10;
	s26 =	simm.s32 $0xA000  }
0x58: {  	[tilespmem:s26], [sflag:$0x1] =	stream.indirect.gather [hbm4b:s4+s8], $0x10, s6, s8, $0xb8;
	[tilespmem:$0x19010] =	vst v63  }
0x59: {  	s28 =	simm.s32 $0x18A90;
	s29 =	simm.s32 $0xA800  }
0x5a: {  	[tilespmem:s29], [sflag:$0x1] =	stream.indirect.gather [hbm4b:s4+s8], $0x10, s28, s8, $0xb8;
	[tilespmem:$0x19010] =	vst v63  }
0x5b: {  	s30 =	simm.s32 $0x18B10;
	s31 =	simm.s32 $0xB000  }
0x5c: {  	[tilespmem:s31], [sflag:$0x1] =	stream.indirect.gather [hbm4b:s4+s8], $0x10, s30, s8, $0xb8;
	[tilespmem:$0x19010] =	vst v63  }
0x5d: {  	s1 =	simm.s32 $0x18B90;
	s3 =	simm.s32 $0xB800  }
0x5e: {  	[tilespmem:s3], [sflag:$0x1] =	stream.indirect.gather [hbm4b:s4+s8], $0x10, s1, s8, $0xb8;
	[tilespmem:$0x19010] =	vst v63  }
0x5f: {  	s6 =	simm.s32 $0x18C10;
	s26 =	simm.s32 $0xC000  }
0x60: {  	[tilespmem:s26], [sflag:$0x1] =	stream.indirect.gather [hbm4b:s4+s8], $0x10, s6, s8, $0xb8;
	[tilespmem:$0x19010] =	vst v63  }
0x61: {  	s28 =	simm.s32 $0x18C90;
	s29 =	simm.s32 $0xC800  }
0x62: {  	[tilespmem:s29], [sflag:$0x1] =	stream.indirect.gather [hbm4b:s4+s8], $0x10, s28, s8, $0xb8;
	[tilespmem:$0x19010] =	vst v63  }
0x63: {  	s30 =	simm.s32 $0x18D10;
	s31 =	simm.s32 $0xD000  }
0x64: {  	[tilespmem:s31], [sflag:$0x1] =	stream.indirect.gather [hbm4b:s4+s8], $0x10, s30, s8, $0xb8;
	[tilespmem:$0x19010] =	vst v63  }
0x65: {  	_ = 	snop  }
0x66: {  	[tilespmem:s9], [sflag:$0x1] =	stream.indirect.gather [hbm4b:s4+s8], $0x10, s2, s8, $0xb8;
	[tilespmem:$0x19010] =	vst v63  }
0x67: {  	_ = 	snop  }
0x68: {  	[tilespmem:s11], [sflag:$0x1] =	stream.indirect.gather [hbm4b:s4+s8], $0x10, s10, s8, $0xb8;
	[tilespmem:$0x19010] =	vst v63  }
0x69: {  	_ = 	snop  }
0x6a: {  	[tilespmem:s13], [sflag:$0x1] =	stream.indirect.gather [hbm4b:s4+s8], $0x10, s12, s8, $0xb8;
	[tilespmem:$0x19010] =	vst v63  }
0x6b: {  	_ = 	snop  }
0x6c: {  	[tilespmem:s15], [sflag:$0x1] =	stream.indirect.gather [hbm4b:s4+s8], $0x10, s14, s8, $0xb8;
	[tilespmem:$0x19010] =	vst v63  }
0x6d: {  	s26 =	simm.s32 $0x40  }
0x6e: {  	[tilespmem:s17], [sflag:$0x1] =	stream.indirect.gather [hbm4b:s4+s8], $0x10, s16, s8, $0xb8;
	[tilespmem:$0x19010] =	vst v63  }
.LBB2_7:
0x6f: {  	_ =	swait.ge [sflag:s7], $0x800  }
0x70: {  	[sflag:s7] =	ssyncset.done $0x0  }
0x71: {  	[sflag:s7] =	ssyncadd.s32 $0xFFFFF800  }
0x72: {  	v5 =	vld [tilespmem:s26+$0x20]  }
0x73: {  	v7 =	vld [tilespmem:s26+$0xFFFFFFC0]  }
0x74: {  	v9 =	vld [tilespmem:s26+$0x30]  }
0x75: {  	v6 =	vld [tilespmem:s26+$0x10]  }
0x76: {  	v11 =	vld [tilespmem:s26+$0x0];
	_ =	sdelay $0x2  }
0x77: {  	v16 =	vld [tilespmem:s26+$0xFFFFFFF0]  }
0x78: {  	vm0 =	vlt.s32 v5, $0x0;
	v8 =	vxor.u32 $0x7FFFFFFF, v5;
	vm1 =	vlt.s32 v7, $0x0  }
0x79: {  	s0 =	sshll.u32 s25, $0x7;
	v10 =	vld [tilespmem:s26+$0xFFFFFFD0];
	vm2 =	vlt.s32 v9, $0x0;
	v12 =	vxor.u32 $0x7FFFFFFF, v6;
	v18 =	vxor.u32 $0x7FFFFFFF, v11  }
0x7a: {  	s28 =	sadd.s32 $0x80, s0;
	s29 =	sadd.s32 $0x8, s0;
	v14 =	vxor.u32 $0x7FFFFFFF, v9;
	v17 =	vsel vm0, v8, v5;
	v5 =	vxor.u32 $0x7FFFFFFF, v7  }
0x7b: {  	p0 =	slt.u32 s29, s28;
	v8 =	vld [tilespmem:s26+$0xFFFFFFE0];
	vm0 =	vlt.s32 v6, $0x0;
	v15 =	vsel vm2, v14, v9;
	v13 =	vshra.s32 v17, $0x11  }
.Ltmp2:
0x7c: {  	vm2 =	vlt.s32 v11, $0x0;
	v9 =	vxor.u32 $0x7FFFFFFF, v16;
	v13 =	vand.u32 $0xFFFFFFF0, v13;
	(pc) =	sbr.rel @!p0 .LBB2_9-.Ltmp2, $4  }
0x7d: {  	v5 =	vsel vm1, v5, v7;
	vm1 =	vlt.s32 v16, $0x0;
	v14 =	vadd.s32 v3, v13  }
0x7e: {  	v11 =	vsel vm2, v18, v11;
	vm2 =	vlt.s32 v10, $0x0;
	[tilespmem:s26+$0x20] =	vst v17;
	v17 =	vxor.u32 $0x7FFFFFFF, v10  }
0x7f: {  	v7 =	vshra.s32 v5, $0x11;
	v9 =	vsel vm1, v9, v16;
	v16 =	vshra.s32 v15, $0x11  }
0x80: {  	s30 =	sadd.s32 $0x80, s26;
	s0 =	smov.u32 s26;
	v16 =	vand.u32 $0xFFFFFFF0, v16;
	v13 =	vxor.u32 $0x7FFFFFFF, v8;
	vm1 =	vlt.s32 v8, $0x0  }
.LBB2_8:
0x81: {  	v18 =	vld [tilespmem:s30+$0x20];
	s29 =	sadd.s32 $0x8, s29;
	v10 =	vsel vm2, v17, v10;
	v6 =	vsel vm0, v12, v6;
	[tilespmem:s0+$0x30] =	vst v15;
	v15 =	vadd.s32 v3, v16  }
0x82: {  	v16 =	vshra.s32 v9, $0x11;
	p0 =	slt.u32 s29, s28;
	v12 =	vshra.s32 v10, $0x11;
	v17 =	vshra.s32 v6, $0x11;
	[tilespmem:v14+s18+$0x0] =	vst.idx.add.s32.msk $0xffff, v4  }
0x83: {  	v8 =	vsel vm1, v13, v8;
	v14 =	vld [tilespmem:s30+$0xFFFFFFC0];
	[tilespmem:s0+$0xFFFFFFD0] =	vst v10;
	v10 =	vand.u32 $0xFFFFFFF0, v12;
	v12 =	vand.u32 $0xFFFFFFF0, v17  }
0x84: {  	v13 =	vld [tilespmem:s30+$0x30];
	v17 =	vadd.s32 v3, v10;
	v10 =	vshra.s32 v8, $0x11;
	[tilespmem:s0+$0x10] =	vst v6;
	v19 =	vadd.s32 v3, v12  }
0x85: {  	v12 =	vand.u32 $0xFFFFFFF0, v16;
	v6 =	vld [tilespmem:s30+$0x10];
	[tilespmem:s0+$0xFFFFFFE0] =	vst v8;
	v8 =	vand.u32 $0xFFFFFFF0, v10;
	v10 =	vshra.s32 v11, $0x11  }
0x86: {  	v16 =	vld [tilespmem:s30+$0xFFFFFFF0];
	vm0 =	vlt.s32 v18, $0x0;
	v20 =	vxor.u32 $0x7FFFFFFF, v18;
	[tilespmem:s0+$0x0] =	vst v11;
	v10 =	vand.u32 $0xFFFFFFF0, v10  }
0x87: {  	v21 =	vadd.s32 v3, v8;
	v11 =	vld [tilespmem:s30+$0x0];
	[tilespmem:s0+$0xFFFFFFC0] =	vst v5;
	v5 =	vand.u32 $0xFFFFFFF0, v7;
	v22 =	vadd.s32 v3, v10  }
0x88: {  	v18 =	vsel vm0, v20, v18;
	vm1 =	vlt.s32 v14, $0x0;
	v10 =	vld [tilespmem:s30+$0xFFFFFFD0];
	v20 =	vadd.s32 v3, v5;
	[tilespmem:s0+$0xFFFFFFF0] =	vst v9;
	s0 =	smov.u32 s30  }
0x89: {  	v23 =	vadd.s32 v3, v12;
	v5 =	vxor.u32 $0x7FFFFFFF, v14;
	v8 =	vld [tilespmem:s30+$0xFFFFFFE0];
	[tilespmem:s30+$0x20] =	vst v18;
	vm2 =	vlt.s32 v13, $0x0  }
0x8a: {  	v5 =	vsel vm1, v5, v14;
	vm0 =	vlt.s32 v6, $0x0;
	v12 =	vxor.u32 $0x7FFFFFFF, v6;
	[tilespmem:v15+s18+$0x0] =	vst.idx.add.s32.msk $0xffff, v4  }
0x8b: {  	v9 =	vshra.s32 v18, $0x11;
	v7 =	vshra.s32 v5, $0x11;
	vm1 =	vlt.s32 v16, $0x0;
	[tilespmem:v17+s18+$0x0] =	vst.idx.add.s32.msk $0xffff, v4  }
.Ltmp3:
0x8c: {  	v9 =	vand.u32 $0xFFFFFFF0, v9;
	v15 =	vxor.u32 $0x7FFFFFFF, v13;
	v17 =	vxor.u32 $0x7FFFFFFF, v11;
	[tilespmem:v19+s18+$0x0] =	vst.idx.add.s32.msk $0xffff, v4;
	(pc) =	sbr.rel @p0 .LBB2_8-.Ltmp3, $4  }
0x8d: {  	v14 =	vadd.s32 v3, v9;
	v15 =	vsel vm2, v15, v13;
	vm3 =	vlt.s32 v11, $0x0;
	[tilespmem:v20+s18+$0x0] =	vst.idx.add.s32.msk $0xffff, v4  }
0x8e: {  	v9 =	vxor.u32 $0x7FFFFFFF, v16;
	v11 =	vsel vm3, v17, v11;
	v13 =	vxor.u32 $0x7FFFFFFF, v8;
	[tilespmem:v22+s18+$0x0] =	vst.idx.add.s32.msk $0xffff, v4  }
0x8f: {  	v9 =	vsel vm1, v9, v16;
	v16 =	vshra.s32 v15, $0x11;
	vm2 =	vlt.s32 v10, $0x0;
	[tilespmem:v23+s18+$0x0] =	vst.idx.add.s32.msk $0xffff, v4  }
0x90: {  	s30 =	sadd.s32 $0x80, s30;
	v17 =	vxor.u32 $0x7FFFFFFF, v10;
	v16 =	vand.u32 $0xFFFFFFF0, v16;
	vm1 =	vlt.s32 v8, $0x0;
	[tilespmem:v21+s18+$0x0] =	vst.idx.add.s32.msk $0xffff, v4  }
.LBB2_9:
0x91: {  	_ =	sdelay $0x2  }
0x92: {  	[tilespmem:s0+$0x30] =	vst v15  }
0x93: {  	v10 =	vsel vm2, v17, v10;
	[tilespmem:v14+s18+$0x0] =	vst.idx.add.s32.msk $0xffff, v4  }
0x94: {  	v6 =	vsel vm0, v12, v6;
	v56 =	vadd.s32 v3, v16;
	v8 =	vsel vm1, v13, v8;
	[tilespmem:s0+$0x0] =	vst v11  }
0x95: {  	v60 =	vshra.s32 v11, $0x11;
	v7 =	vand.u32 $0xFFFFFFF0, v7;
	v61 =	vshra.s32 v9, $0x11;
	[tilespmem:s0+$0xFFFFFFC0] =	vst v5  }
0x96: {  	[tilespmem:s0+$0xFFFFFFF0] =	vst v9;
	v57 =	vshra.s32 v10, $0x11;
	v13 =	vand.u32 $0xFFFFFFF0, v60;
	v5 =	vadd.s32 v3, v7  }
0x97: {  	[tilespmem:s0+$0xFFFFFFD0] =	vst v10;
	v58 =	vshra.s32 v6, $0x11;
	v62 =	vand.u32 $0xFFFFFFF0, v61;
	v63 =	vadd.s32 v3, v13  }
0x98: {  	[tilespmem:s0+$0xFFFFFFE0] =	vst v8;
	v7 =	vshra.s32 v8, $0x11;
	v14 =	vand.u32 $0xFFFFFFF0, v57;
	v8 =	vadd.s32 v3, v62  }
0x99: {  	[tilespmem:s0+$0x10] =	vst v6;
	v6 =	vand.u32 $0xFFFFFFF0, v58;
	v59 =	vadd.s32 v3, v14  }
0x9a: {  	s25 =	sadd.s32 $0x1, s25;
	v7 =	vand.u32 $0xFFFFFFF0, v7;
	v6 =	vadd.s32 v3, v6;
	[tilespmem:v56+s18+$0x0] =	vst.idx.add.s32.msk $0xffff, v4  }
0x9b: {  	p0 =	seq.s32 s25, $0x20;
	v7 =	vadd.s32 v3, v7;
	[tilespmem:v5+s18+$0x0] =	vst.idx.add.s32.msk $0xffff, v4  }
.Ltmp4:
0x9c: {  	[tilespmem:v63+s18+$0x0] =	vst.idx.add.s32.msk $0xffff, v4;
	(pc) =	sbr.rel @!p0 .LBB2_7-.Ltmp4, $4  }
0x9d: {  	[tilespmem:v8+s18+$0x0] =	vst.idx.add.s32.msk $0xffff, v4  }
0x9e: {  	[tilespmem:v59+s18+$0x0] =	vst.idx.add.s32.msk $0xffff, v4  }
0x9f: {  	[tilespmem:v6+s18+$0x0] =	vst.idx.add.s32.msk $0xffff, v4  }
0xa0: {  	s26 =	sadd.s32 $0x800, s26;
	[tilespmem:v7+s18+$0x0] =	vst.idx.add.s32.msk $0xffff, v4  }
0xa1: {  	s25 =	simm.s32 $0x10080  }
0xa2: {  	v6 =	vld [tilespmem:s25+$0xFFFFFF80]  }
0xa3: {  	v7 =	vld [tilespmem:s25+$0xFFFFFF90]  }
0xa4: {  	v8 =	vld [tilespmem:s25+$0xFFFFFFA0];
	_ =	sdelay $0x1  }
0xa5: {  	v5 =	vimm.s32 $0x0;
	v9 =	vld [tilespmem:s25+$0xFFFFFFB0]  }
0xa6: {  	v6 =	vadd.s32 v5, v6  }
0xa7: {  	v10 =	vld [tilespmem:s25+$0xFFFFFFC0];
	vm0 =	vlt.s32 v6, $0x800;
	v7 =	vadd.s32 v6, v7  }
0xa8: {  	v11 =	vsel vm0, $0x1, v0;
	vm1 =	vlt.s32 v7, $0x800;
	v8 =	vadd.s32 v7, v8  }
0xa9: {  	v12 =	vld [tilespmem:s25+$0xFFFFFFD0];
	v11 =	vadd.s32 v11, v5;
	v5 =	vsel vm0, v6, v5;
	v6 =	vsel vm1, $0x1, v0  }
0xaa: {  	vm0 =	vlt.s32 v8, $0x800;
	v9 =	vadd.s32 v8, v9;
	v6 =	vadd.s32 v6, v11  }
0xab: {  	v11 =	vld [tilespmem:s25+$0xFFFFFFE0];
	v5 =	vsel vm1, v7, v5;
	v7 =	vsel vm0, $0x1, v0;
	vm1 =	vlt.s32 v9, $0x800  }
0xac: {  	v13 =	vld [tilespmem:s25+$0xFFFFFFF0];
	v10 =	vadd.s32 v9, v10;
	v6 =	vadd.s32 v7, v6;
	v7 =	vsel vm1, $0x1, v0  }
0xad: {  	[tilespmem:s25+$0xFFFFFF80] =	vst v0;
	v5 =	vsel vm0, v8, v5;
	vm0 =	vlt.s32 v10, $0x800;
	v6 =	vadd.s32 v7, v6  }
0xae: {  	[tilespmem:s25+$0xFFFFFF90] =	vst v0;
	v7 =	vld [tilespmem:s25+$0x0];
	v5 =	vsel vm1, v9, v5;
	v8 =	vsel vm0, $0x1, v0;
	v9 =	vadd.s32 v10, v12  }
0xaf: {  	[tilespmem:s25+$0xFFFFFFA0] =	vst v0;
	v6 =	vadd.s32 v8, v6;
	vm1 =	vlt.s32 v9, $0x800;
	v5 =	vsel vm0, v10, v5  }
0xb0: {  	[tilespmem:s25+$0xFFFFFFB0] =	vst v0;
	v10 =	vsel vm1, $0x1, v0;
	v5 =	vsel vm1, v9, v5;
	v8 =	vadd.s32 v9, v11;
	v11 =	vld [tilespmem:s25+$0x10]  }
0xb1: {  	[tilespmem:s25+$0xFFFFFFC0] =	vst v0;
	v60 =	vld [tilespmem:s25+$0x20];
	v6 =	vadd.s32 v10, v6;
	vm0 =	vlt.s32 v8, $0x800;
	v13 =	vadd.s32 v8, v13  }
0xb2: {  	[tilespmem:s25+$0xFFFFFFD0] =	vst v0;
	v10 =	vsel vm0, $0x1, v0;
	vm1 =	vlt.s32 v13, $0x800;
	v5 =	vsel vm0, v8, v5  }
0xb3: {  	[tilespmem:s25+$0x20] =	vst v0;
	v9 =	vld [tilespmem:s25+$0x30];
	v7 =	vadd.s32 v13, v7;
	v6 =	vadd.s32 v10, v6;
	v8 =	vsel vm1, $0x1, v0  }
0xb4: {  	[tilespmem:s25+$0xFFFFFFE0] =	vst v0;
	v10 =	vld [tilespmem:s25+$0x40];
	v5 =	vsel vm1, v13, v5;
	vm0 =	vlt.s32 v7, $0x800;
	v6 =	vadd.s32 v8, v6  }
0xb5: {  	[tilespmem:s25+$0x0] =	vst v0;
	v8 =	vsel vm0, $0x1, v0;
	v5 =	vsel vm0, v7, v5;
	v7 =	vadd.s32 v7, v11  }
0xb6: {  	[tilespmem:s25+$0x10] =	vst v0;
	v6 =	vadd.s32 v8, v6;
	v11 =	vld [tilespmem:s25+$0x50];
	vm0 =	vlt.s32 v7, $0x800;
	v8 =	vadd.s32 v7, v60  }
0xb7: {  	[tilespmem:s25+$0x30] =	vst v0;
	v61 =	vsel vm0, $0x1, v0;
	v7 =	vsel vm0, v7, v5;
	vm0 =	vlt.s32 v8, $0x800  }
0xb8: {  	[tilespmem:s25+$0x40] =	vst v0;
	v12 =	vadd.s32 v61, v6;
	v62 =	vsel vm0, v8, v7;
	v8 =	vadd.s32 v8, v9;
	v6 =	vld [tilespmem:s25+$0x60]  }
0xb9: {  	[tilespmem:s25+$0x50] =	vst v0;
	v5 =	vld [tilespmem:s25+$0x70];
	v9 =	vsel vm0, $0x1, v0;
	vm0 =	vlt.s32 v8, $0x800;
	v7 =	vadd.s32 v8, v10  }
0xba: {  	[tilespmem:s25+$0x70] =	vst v0;
	v10 =	vadd.s32 v9, v12;
	v63 =	vsel vm0, $0x1, v0;
	v9 =	vsel vm0, v8, v62  }
0xbb: {  	s26 =	simm.s32 $0x0;
	s28 =	simm.s32 $0x10180;
	[tilespmem:s25+$0x60] =	vst v0;
	vm0 =	vlt.s32 v7, $0x800;
	v8 =	vadd.s32 v7, v11;
	v10 =	vadd.s32 v63, v10  }
.LBB2_11:
0xbc: {  	v11 =	vld [tilespmem:s28+$0xFFFFFF80];
	s26 =	sadd.s32 $0x10, s26;
	[tilespmem:s25+$0xFFFFFFF0] =	vst v0;
	v12 =	vsel vm0, $0x1, v0;
	v7 =	vsel vm0, v7, v9;
	vm0 =	vlt.s32 v8, $0x800;
	s25 =	smov.u32 s28  }
0xbd: {  	v6 =	vadd.s32 v8, v6;
	[tilespmem:s28+$0xFFFFFF80] =	vst v0;
	v9 =	vld [tilespmem:s28+$0xFFFFFF90];
	p0 =	slt.u32 s26, $0x7F0;
	v10 =	vadd.s32 v12, v10;
	v7 =	vsel vm0, v8, v7  }
0xbe: {  	v12 =	vsel vm0, $0x1, v0;
	vm0 =	vlt.s32 v6, $0x800;
	v5 =	vadd.s32 v6, v5;
	[tilespmem:s28+$0xFFFFFF90] =	vst v0;
	v8 =	vld [tilespmem:s28+$0xFFFFFFA0]  }
0xbf: {  	v10 =	vadd.s32 v12, v10;
	v12 =	vsel vm0, $0x1, v0;
	vm1 =	vlt.s32 v5, $0x800;
	[tilespmem:s28+$0xFFFFFFA0] =	vst v0  }
0xc0: {  	v6 =	vsel vm0, v6, v7;
	v10 =	vadd.s32 v12, v10;
	v7 =	vsel vm1, $0x1, v0;
	v13 =	vld [tilespmem:s28+$0xFFFFFFB0]  }
0xc1: {  	v7 =	vadd.s32 v7, v10;
	v11 =	vadd.s32 v5, v11;
	[tilespmem:s28+$0xFFFFFFB0] =	vst v0;
	v5 =	vsel vm1, v5, v6  }
0xc2: {  	vm0 =	vlt.s32 v11, $0x800;
	v6 =	vadd.s32 v11, v9;
	v9 =	vld [tilespmem:s28+$0xFFFFFFC0]  }
0xc3: {  	v10 =	vsel vm0, $0x1, v0;
	vm1 =	vlt.s32 v6, $0x800;
	v8 =	vadd.s32 v6, v8;
	[tilespmem:s28+$0xFFFFFFC0] =	vst v0  }
0xc4: {  	v5 =	vsel vm0, v11, v5;
	v7 =	vadd.s32 v10, v7;
	v10 =	vsel vm1, $0x1, v0;
	v11 =	vld [tilespmem:s28+$0xFFFFFFD0]  }
0xc5: {  	vm0 =	vlt.s32 v8, $0x800;
	v7 =	vadd.s32 v10, v7;
	v10 =	vadd.s32 v8, v13;
	[tilespmem:s28+$0xFFFFFFD0] =	vst v0;
	v12 =	vld [tilespmem:s28+$0xFFFFFFE0]  }
0xc6: {  	v5 =	vsel vm1, v6, v5;
	v6 =	vsel vm0, $0x1, v0;
	vm1 =	vlt.s32 v10, $0x800;
	[tilespmem:s28+$0xFFFFFFE0] =	vst v0  }
0xc7: {  	v6 =	vadd.s32 v6, v7;
	v7 =	vsel vm1, $0x1, v0;
	v9 =	vadd.s32 v10, v9;
	v13 =	vld [tilespmem:s28+$0xFFFFFFF0]  }
0xc8: {  	v5 =	vsel vm0, v8, v5;
	v6 =	vadd.s32 v7, v6;
	vm0 =	vlt.s32 v9, $0x800;
	v7 =	vld [tilespmem:s28+$0x0]  }
0xc9: {  	v5 =	vsel vm1, v10, v5;
	v8 =	vsel vm0, $0x1, v0;
	v10 =	vadd.s32 v9, v11;
	[tilespmem:s28+$0x0] =	vst v0;
	v11 =	vld [tilespmem:s28+$0x20]  }
0xca: {  	v6 =	vadd.s32 v8, v6;
	vm1 =	vlt.s32 v10, $0x800;
	v8 =	vadd.s32 v10, v12;
	v12 =	vld [tilespmem:s28+$0x10];
	[tilespmem:s28+$0x20] =	vst v0  }
0xcb: {  	v5 =	vsel vm0, v9, v5;
	v9 =	vsel vm1, $0x1, v0;
	vm0 =	vlt.s32 v8, $0x800;
	[tilespmem:s28+$0x10] =	vst v0  }
0xcc: {  	v6 =	vadd.s32 v9, v6;
	v9 =	vsel vm0, $0x1, v0;
	v13 =	vadd.s32 v8, v13;
	v14 =	vld [tilespmem:s28+$0x40]  }
0xcd: {  	v5 =	vsel vm1, v10, v5;
	v6 =	vadd.s32 v9, v6;
	vm1 =	vlt.s32 v13, $0x800;
	v9 =	vld [tilespmem:s28+$0x30];
	[tilespmem:s28+$0x40] =	vst v0  }
0xce: {  	v5 =	vsel vm0, v8, v5;
	v7 =	vadd.s32 v13, v7;
	v8 =	vsel vm1, $0x1, v0;
	[tilespmem:s28+$0x30] =	vst v0  }
0xcf: {  	vm0 =	vlt.s32 v7, $0x800;
	v6 =	vadd.s32 v8, v6;
	v8 =	vsel vm1, v13, v5;
	v5 =	vld [tilespmem:s28+$0x70]  }
0xd0: {  	v10 =	vsel vm0, $0x1, v0;
	v8 =	vsel vm0, v7, v8;
	v7 =	vadd.s32 v7, v12;
	[tilespmem:s28+$0x70] =	vst v0  }
0xd1: {  	v10 =	vadd.s32 v10, v6;
	vm0 =	vlt.s32 v7, $0x800;
	v11 =	vadd.s32 v7, v11;
	v12 =	vld [tilespmem:s28+$0x50]  }
.Ltmp5:
0xd2: {  	v13 =	vsel vm0, $0x1, v0;
	v7 =	vsel vm0, v7, v8;
	vm0 =	vlt.s32 v11, $0x800;
	[tilespmem:s28+$0x50] =	vst v0;
	v6 =	vld [tilespmem:s28+$0x60];
	(pc) =	sbr.rel @p0 .LBB2_11-.Ltmp5, $4  }
0xd3: {  	v9 =	vadd.s32 v11, v9;
	v8 =	vadd.s32 v13, v10;
	v10 =	vsel vm0, v11, v7;
	[tilespmem:s28+$0x60] =	vst v0  }
0xd4: {  	v11 =	vsel vm0, $0x1, v0;
	vm0 =	vlt.s32 v9, $0x800;
	v7 =	vadd.s32 v9, v14  }
0xd5: {  	v8 =	vadd.s32 v11, v8;
	v11 =	vsel vm0, $0x1, v0;
	v9 =	vsel vm0, v9, v10  }
0xd6: {  	s28 =	sadd.s32 $0x100, s28;
	vm0 =	vlt.s32 v7, $0x800;
	v10 =	vadd.s32 v11, v8;
	v8 =	vadd.s32 v7, v12  }
0xd7: {  	[tilespmem:s25+$0xFFFFFFF0] =	vst v0;
	v11 =	vsel vm0, $0x1, v0;
	s0 =	simm.s32 $0x40;
	vm1 =	vlt.s32 v8, $0x800;
	v7 =	vsel vm0, v7, v9  }
0xd8: {  	v10 =	vadd.s32 v11, v10;
	v11 =	vadd.s32 v8, v6;
	v12 =	vld [tilespmem:s0+$0xFFFFFFC0];
	v6 =	vsel vm1, $0x1, v0  }
0xd9: {  	v13 =	vld [tilespmem:s0+$0xFFFFFFF0];
	v7 =	vsel vm1, v8, v7;
	vm2 =	vlt.s32 v11, $0x800;
	v5 =	vadd.s32 v11, v5  }
0xda: {  	v6 =	vadd.s32 v6, v10;
	v10 =	vsel vm2, $0x1, v0;
	vm3 =	vlt.s32 v5, $0x800  }
0xdb: {  	v7 =	vsel vm2, v11, v7;
	v6 =	vadd.s32 v10, v6;
	v9 =	vsel vm3, $0x1, v0;
	v10 =	vld [tilespmem:s0+$0x30]  }
0xdc: {  	v5 =	vsel vm3, v5, v7;
	v6 =	vadd.s32 v9, v6  }
0xdd: {  	v14 =	vld [tilespmem:s0+$0xFFFFFFE0];
	v6 =	vadd.s32 $0xFFFFFC00, v6;
	v8 =	vshra.s32 v12, $0x15;
	v9 =	vshrl.u32 v12, $0x6  }
0xde: {  	v11 =	vld [tilespmem:s0+$0x0];
	v7 =	vshrl.u32 v13, $0x6;
	vm0 =	veq.s32 v8, v6;
	v8 =	vand.u32 $0x7FF0, v9  }
0xdf: {  	v9 =	vand.u32 $0x7FF0, v7;
	v15 =	vor.u32 v1, v8;
	v8 =	vshra.s32 v13, $0x15  }
0xe0: {  	v7 =	vld [tilespmem:s0+$0x20];
	v12 =	vshrl.u32 v10, $0x6;
	vm1 =	veq.s32 v8, v6;
	v13 =	vshra.s32 v10, $0x15  }
0xe1: {  	v8 =	vld [tilespmem:s0+$0xFFFFFFD0];
	v10 =	vor.u32 v1, v9;
	v16 =	vand.u32 $0x7FF0, v12;
	vm2 =	veq.s32 v13, v6  }
0xe2: {  	v9 =	vor.u32 v1, v16  }
0xe3: {  	v63 =	vshra.s32 v11, $0x15;
	v17 =	vshrl.u32 v11, $0x6;
	v11 =	vld [tilespmem:s0+$0x10];
	v12 =	vshrl.u32 v14, $0x6  }
0xe4: {  	s25 =	simm.s32 $0xC0;
	s0 =	simm.s32 $0x0;
	v13 =	vshra.s32 v14, $0x15;
	v14 =	vand.u32 $0x7FF0, v17;
	[tilespmem:v15+s18+$0x0] =	vst.idx.add.s32.msk vm0, v4;
	vm0 =	veq.s32 v63, v6  }
.LBB2_13:
0xe5: {  	v15 =	vld [tilespmem:s25+$0xFFFFFFF0];
	s0 =	sadd.s32 $0x8, s0;
	vm5 =	veq.s32 v13, v6;
	v12 =	vand.u32 $0x7FF0, v12;
	v13 =	vor.u32 v1, v14  }
0xe6: {  	v14 =	vshra.s32 v8, $0x15;
	p0 =	slt.u32 s0, $0xFF8;
	v12 =	vor.u32 v1, v12;
	[tilespmem:v10+s18+$0x0] =	vst.idx.add.s32.msk vm1, v4;
	v10 =	vshra.s32 v7, $0x15  }
0xe7: {  	vm4 =	veq.s32 v14, v6;
	v7 =	vshrl.u32 v7, $0x6;
	vm3 =	veq.s32 v10, v6;
	[tilespmem:v9+s18+$0x0] =	vst.idx.add.s32.msk vm2, v4  }
0xe8: {  	v8 =	vshrl.u32 v8, $0x6;
	v7 =	vand.u32 $0x7FF0, v7;
	v9 =	vld [tilespmem:s25+$0xFFFFFFC0];
	v10 =	vshrl.u32 v11, $0x6  }
0xe9: {  	v8 =	vand.u32 $0x7FF0, v8;
	v11 =	vshra.s32 v11, $0x15;
	v16 =	vor.u32 v1, v7;
	v14 =	vld [tilespmem:s25+$0x30]  }
0xea: {  	vm6 =	veq.s32 v11, v6;
	v10 =	vand.u32 $0x7FF0, v10;
	v17 =	vshrl.u32 v15, $0x6;
	v7 =	vld [tilespmem:s25+$0x20]  }
0xeb: {  	v18 =	vor.u32 v1, v8;
	v19 =	vor.u32 v1, v10;
	v11 =	vld [tilespmem:s25+$0xFFFFFFE0]  }
0xec: {  	[tilespmem:v12+s18+$0x0] =	vst.idx.add.s32.msk vm5, v4  }
0xed: {  	v8 =	vshra.s32 v9, $0x15;
	v9 =	vshrl.u32 v9, $0x6;
	[tilespmem:v13+s18+$0x0] =	vst.idx.add.s32.msk vm0, v4  }
0xee: {  	vm0 =	veq.s32 v8, v6;
	v8 =	vand.u32 $0x7FF0, v9;
	v9 =	vshra.s32 v15, $0x15;
	v15 =	vld [tilespmem:s25+$0x0]  }
0xef: {  	v10 =	vand.u32 $0x7FF0, v17;
	v12 =	vshrl.u32 v14, $0x6;
	v20 =	vor.u32 v1, v8;
	v8 =	vld [tilespmem:s25+$0xFFFFFFD0]  }
.Ltmp6:
0xf0: {  	vm1 =	veq.s32 v9, v6;
	v9 =	vshra.s32 v14, $0x15;
	v13 =	vand.u32 $0x7FF0, v12;
	[tilespmem:v18+s18+$0x0] =	vst.idx.add.s32.msk vm4, v4;
	(pc) =	sbr.rel @p0 .LBB2_13-.Ltmp6, $4  }
0xf1: {  	v10 =	vor.u32 v1, v10;
	vm2 =	veq.s32 v9, v6;
	[tilespmem:v16+s18+$0x0] =	vst.idx.add.s32.msk vm3, v4  }
0xf2: {  	v12 =	vshrl.u32 v11, $0x6;
	v9 =	vor.u32 v1, v13;
	[tilespmem:v19+s18+$0x0] =	vst.idx.add.s32.msk vm6, v4  }
0xf3: {  	v13 =	vshra.s32 v11, $0x15;
	v14 =	vshra.s32 v15, $0x15;
	v15 =	vshrl.u32 v15, $0x6;
	v11 =	vld [tilespmem:s25+$0x10]  }
0xf4: {  	s25 =	sadd.s32 $0x80, s25;
	[tilespmem:v20+s18+$0x0] =	vst.idx.add.s32.msk vm0, v4;
	vm0 =	veq.s32 v14, v6;
	v14 =	vand.u32 $0x7FF0, v15  }
0xf5: {  	vm3 =	veq.s32 v13, v6;
	v12 =	vand.u32 $0x7FF0, v12;
	v13 =	vor.u32 v1, v14  }
0xf6: {  	v14 =	vshra.s32 v8, $0x15;
	v15 =	vshra.s32 v7, $0x15;
	v8 =	vshrl.u32 v8, $0x6  }
0xf7: {  	v7 =	vshrl.u32 v7, $0x6;
	v12 =	vor.u32 v1, v12;
	vm4 =	veq.s32 v14, v6  }
0xf8: {  	vm5 =	veq.s32 v15, v6;
	v8 =	vand.u32 $0x7FF0, v8;
	v7 =	vand.u32 $0x7FF0, v7  }
0xf9: {  	v8 =	vor.u32 v1, v8;
	v14 =	vshrl.u32 v11, $0x6;
	v11 =	vshra.s32 v11, $0x15  }
0xfa: {  	[tilespmem:v10+s18+$0x0] =	vst.idx.add.s32.msk vm1, v4;
	v7 =	vor.u32 v1, v7;
	vm1 =	veq.s32 v11, v6;
	v10 =	vand.u32 $0x7FF0, v14  }
0xfb: {  	[tilespmem:v9+s18+$0x0] =	vst.idx.add.s32.msk vm2, v4;
	v9 =	vor.u32 v1, v10  }
0xfc: {  	[tilespmem:v13+s18+$0x0] =	vst.idx.add.s32.msk vm0, v4  }
0xfd: {  	[tilespmem:v12+s18+$0x0] =	vst.idx.add.s32.msk vm3, v4  }
0xfe: {  	[tilespmem:v8+s18+$0x0] =	vst.idx.add.s32.msk vm4, v4  }
0xff: {  	[tilespmem:v7+s18+$0x0] =	vst.idx.add.s32.msk vm5, v4  }
0x100: {  	s25 =	simm.s32 $0x10080;
	[tilespmem:v9+s18+$0x0] =	vst.idx.add.s32.msk vm1, v4  }
0x101: {  	v7 =	vld [tilespmem:s25+$0xFFFFFF80]  }
0x102: {  	v9 =	vld [tilespmem:s25+$0xFFFFFF90]  }
0x103: {  	v10 =	vld [tilespmem:s25+$0xFFFFFFA0];
	_ =	sdelay $0x1  }
0x104: {  	v11 =	vimm.s32 $0x0;
	v12 =	vld [tilespmem:s25+$0xFFFFFFB0]  }
0x105: {  	v8 =	vsub.s32 $0x7FF, v5;
	v7 =	vadd.s32 v11, v7  }
0x106: {  	v13 =	vld [tilespmem:s25+$0xFFFFFFC0];
	vm0 =	vle.s32 v7, v8;
	v9 =	vadd.s32 v7, v9  }
0x107: {  	v14 =	vsel vm0, $0x1, v0;
	vm1 =	vle.s32 v9, v8;
	v10 =	vadd.s32 v9, v10  }
0x108: {  	v15 =	vld [tilespmem:s25+$0xFFFFFFD0];
	v7 =	vsel vm0, v7, v11;
	v14 =	vadd.s32 v14, v11;
	v11 =	vsel vm1, $0x1, v0  }
0x109: {  	vm0 =	vle.s32 v10, v8;
	v12 =	vadd.s32 v10, v12;
	v7 =	vsel vm1, v9, v7  }
0x10a: {  	v11 =	vadd.s32 v11, v14;
	v14 =	vld [tilespmem:s25+$0xFFFFFFE0];
	v9 =	vsel vm0, $0x1, v0;
	vm1 =	vle.s32 v12, v8  }
0x10b: {  	v16 =	vld [tilespmem:s25+$0xFFFFFFF0];
	v13 =	vadd.s32 v12, v13;
	v7 =	vsel vm0, v10, v7;
	v9 =	vadd.s32 v9, v11  }
0x10c: {  	[tilespmem:s25+$0xFFFFFF80] =	vst v0;
	v11 =	vsel vm1, $0x1, v0;
	vm0 =	vle.s32 v13, v8;
	v7 =	vsel vm1, v12, v7  }
0x10d: {  	[tilespmem:s25+$0xFFFFFF90] =	vst v0;
	v10 =	vld [tilespmem:s25+$0x0];
	v12 =	vadd.s32 v13, v15;
	v9 =	vadd.s32 v11, v9;
	v11 =	vsel vm0, $0x1, v0  }
0x10e: {  	[tilespmem:s25+$0xFFFFFFA0] =	vst v0;
	vm1 =	vle.s32 v12, v8;
	v7 =	vsel vm0, v13, v7;
	v9 =	vadd.s32 v11, v9  }
0x10f: {  	[tilespmem:s25+$0xFFFFFFB0] =	vst v0;
	v13 =	vsel vm1, $0x1, v0;
	v7 =	vsel vm1, v12, v7;
	v11 =	vadd.s32 v12, v14;
	v14 =	vld [tilespmem:s25+$0x10]  }
0x110: {  	[tilespmem:s25+$0xFFFFFFC0] =	vst v0;
	v15 =	vld [tilespmem:s25+$0x20];
	v9 =	vadd.s32 v13, v9;
	vm0 =	vle.s32 v11, v8;
	v16 =	vadd.s32 v11, v16  }
0x111: {  	[tilespmem:s25+$0xFFFFFFD0] =	vst v0;
	v13 =	vsel vm0, $0x1, v0;
	vm1 =	vle.s32 v16, v8;
	v7 =	vsel vm0, v11, v7  }
0x112: {  	[tilespmem:s25+$0xFFFFFFE0] =	vst v0;
	v12 =	vld [tilespmem:s25+$0x30];
	v10 =	vadd.s32 v16, v10;
	v9 =	vadd.s32 v13, v9;
	v11 =	vsel vm1, $0x1, v0  }
0x113: {  	[tilespmem:s25+$0x0] =	vst v0;
	v13 =	vld [tilespmem:s25+$0x40];
	v7 =	vsel vm1, v16, v7;
	vm0 =	vle.s32 v10, v8;
	v9 =	vadd.s32 v11, v9  }
0x114: {  	[tilespmem:s25+$0x20] =	vst v0;
	v11 =	vsel vm0, $0x1, v0;
	v7 =	vsel vm0, v10, v7;
	v10 =	vadd.s32 v10, v14  }
0x115: {  	[tilespmem:s25+$0x10] =	vst v0;
	v9 =	vadd.s32 v11, v9;
	v14 =	vld [tilespmem:s25+$0x50];
	vm0 =	vle.s32 v10, v8;
	v11 =	vadd.s32 v10, v15  }
0x116: {  	[tilespmem:s25+$0x30] =	vst v0;
	v15 =	vsel vm0, $0x1, v0;
	v10 =	vsel vm0, v10, v7;
	vm0 =	vle.s32 v11, v8  }
0x117: {  	[tilespmem:s25+$0x40] =	vst v0;
	v12 =	vadd.s32 v11, v12;
	v15 =	vadd.s32 v15, v9;
	v10 =	vsel vm0, v11, v10;
	v9 =	vld [tilespmem:s25+$0x60]  }
0x118: {  	[tilespmem:s25+$0x50] =	vst v0;
	v7 =	vld [tilespmem:s25+$0x70];
	v62 =	vsel vm0, $0x1, v0;
	vm0 =	vle.s32 v12, v8;
	v11 =	vadd.s32 v12, v13  }
0x119: {  	[tilespmem:s25+$0x70] =	vst v0;
	v15 =	vadd.s32 v62, v15;
	v63 =	vsel vm0, $0x1, v0;
	v13 =	vsel vm0, v12, v10  }
0x11a: {  	s26 =	simm.s32 $0x0;
	s28 =	simm.s32 $0x10180;
	[tilespmem:s25+$0x60] =	vst v0;
	vm0 =	vle.s32 v11, v8;
	v12 =	vadd.s32 v63, v15;
	v10 =	vadd.s32 v11, v14  }
.LBB2_15:
0x11b: {  	v14 =	vld [tilespmem:s28+$0xFFFFFF80];
	s26 =	sadd.s32 $0x10, s26;
	[tilespmem:s25+$0xFFFFFFF0] =	vst v0;
	v15 =	vsel vm0, $0x1, v0;
	v11 =	vsel vm0, v11, v13;
	vm0 =	vle.s32 v10, v8;
	s25 =	smov.u32 s28  }
0x11c: {  	v9 =	vadd.s32 v10, v9;
	[tilespmem:s28+$0xFFFFFF80] =	vst v0;
	v13 =	vld [tilespmem:s28+$0xFFFFFF90];
	p0 =	slt.u32 s26, $0x7F0;
	v12 =	vadd.s32 v15, v12;
	v11 =	vsel vm0, v10, v11  }
0x11d: {  	v15 =	vsel vm0, $0x1, v0;
	vm0 =	vle.s32 v9, v8;
	v7 =	vadd.s32 v9, v7;
	[tilespmem:s28+$0xFFFFFF90] =	vst v0;
	v10 =	vld [tilespmem:s28+$0xFFFFFFA0]  }
0x11e: {  	v12 =	vadd.s32 v15, v12;
	v15 =	vsel vm0, $0x1, v0;
	vm1 =	vle.s32 v7, v8;
	[tilespmem:s28+$0xFFFFFFA0] =	vst v0  }
0x11f: {  	v9 =	vsel vm0, v9, v11;
	v12 =	vadd.s32 v15, v12;
	v11 =	vsel vm1, $0x1, v0;
	v16 =	vld [tilespmem:s28+$0xFFFFFFB0]  }
0x120: {  	v11 =	vadd.s32 v11, v12;
	v14 =	vadd.s32 v7, v14;
	[tilespmem:s28+$0xFFFFFFB0] =	vst v0;
	v7 =	vsel vm1, v7, v9  }
0x121: {  	vm0 =	vle.s32 v14, v8;
	v9 =	vadd.s32 v14, v13;
	v12 =	vld [tilespmem:s28+$0xFFFFFFC0]  }
0x122: {  	v13 =	vsel vm0, $0x1, v0;
	vm1 =	vle.s32 v9, v8;
	v10 =	vadd.s32 v9, v10;
	[tilespmem:s28+$0xFFFFFFC0] =	vst v0  }
0x123: {  	v7 =	vsel vm0, v14, v7;
	v11 =	vadd.s32 v13, v11;
	v13 =	vsel vm1, $0x1, v0;
	v14 =	vld [tilespmem:s28+$0xFFFFFFD0]  }
0x124: {  	vm0 =	vle.s32 v10, v8;
	v11 =	vadd.s32 v13, v11;
	v13 =	vadd.s32 v10, v16;
	[tilespmem:s28+$0xFFFFFFD0] =	vst v0;
	v15 =	vld [tilespmem:s28+$0xFFFFFFE0]  }
0x125: {  	v7 =	vsel vm1, v9, v7;
	v9 =	vsel vm0, $0x1, v0;
	vm1 =	vle.s32 v13, v8;
	[tilespmem:s28+$0xFFFFFFE0] =	vst v0  }
0x126: {  	v9 =	vadd.s32 v9, v11;
	v11 =	vsel vm1, $0x1, v0;
	v12 =	vadd.s32 v13, v12;
	v16 =	vld [tilespmem:s28+$0xFFFFFFF0]  }
0x127: {  	v7 =	vsel vm0, v10, v7;
	v9 =	vadd.s32 v11, v9;
	vm0 =	vle.s32 v12, v8;
	v10 =	vld [tilespmem:s28+$0x0]  }
0x128: {  	v7 =	vsel vm1, v13, v7;
	v11 =	vsel vm0, $0x1, v0;
	v13 =	vadd.s32 v12, v14;
	[tilespmem:s28+$0x0] =	vst v0;
	v14 =	vld [tilespmem:s28+$0x20]  }
0x129: {  	v9 =	vadd.s32 v11, v9;
	vm1 =	vle.s32 v13, v8;
	v11 =	vadd.s32 v13, v15;
	v15 =	vld [tilespmem:s28+$0x10];
	[tilespmem:s28+$0x20] =	vst v0  }
0x12a: {  	v7 =	vsel vm0, v12, v7;
	v12 =	vsel vm1, $0x1, v0;
	vm0 =	vle.s32 v11, v8;
	[tilespmem:s28+$0x10] =	vst v0  }
0x12b: {  	v9 =	vadd.s32 v12, v9;
	v12 =	vsel vm0, $0x1, v0;
	v16 =	vadd.s32 v11, v16;
	v17 =	vld [tilespmem:s28+$0x40]  }
0x12c: {  	v7 =	vsel vm1, v13, v7;
	v9 =	vadd.s32 v12, v9;
	vm1 =	vle.s32 v16, v8;
	v12 =	vld [tilespmem:s28+$0x30];
	[tilespmem:s28+$0x40] =	vst v0  }
0x12d: {  	v7 =	vsel vm0, v11, v7;
	v10 =	vadd.s32 v16, v10;
	v11 =	vsel vm1, $0x1, v0;
	[tilespmem:s28+$0x30] =	vst v0  }
0x12e: {  	vm0 =	vle.s32 v10, v8;
	v9 =	vadd.s32 v11, v9;
	v11 =	vsel vm1, v16, v7;
	v7 =	vld [tilespmem:s28+$0x70]  }
0x12f: {  	v13 =	vsel vm0, $0x1, v0;
	v11 =	vsel vm0, v10, v11;
	v10 =	vadd.s32 v10, v15;
	[tilespmem:s28+$0x70] =	vst v0  }
0x130: {  	v13 =	vadd.s32 v13, v9;
	vm0 =	vle.s32 v10, v8;
	v14 =	vadd.s32 v10, v14;
	v15 =	vld [tilespmem:s28+$0x50]  }
.Ltmp7:
0x131: {  	v16 =	vsel vm0, $0x1, v0;
	v10 =	vsel vm0, v10, v11;
	vm0 =	vle.s32 v14, v8;
	[tilespmem:s28+$0x50] =	vst v0;
	v9 =	vld [tilespmem:s28+$0x60];
	(pc) =	sbr.rel @p0 .LBB2_15-.Ltmp7, $4  }
0x132: {  	v12 =	vadd.s32 v14, v12;
	v13 =	vadd.s32 v16, v13;
	v10 =	vsel vm0, v14, v10;
	[tilespmem:s28+$0x60] =	vst v0  }
0x133: {  	v14 =	vsel vm0, $0x1, v0;
	vm0 =	vle.s32 v12, v8;
	v11 =	vadd.s32 v12, v17  }
0x134: {  	v14 =	vadd.s32 v14, v13;
	v16 =	vsel vm0, $0x1, v0;
	v13 =	vsel vm0, v12, v10  }
0x135: {  	s28 =	sadd.s32 $0x100, s28;
	vm0 =	vle.s32 v11, v8;
	v12 =	vadd.s32 v16, v14;
	v10 =	vadd.s32 v11, v15  }
0x136: {  	v14 =	vsel vm0, $0x1, v0;
	v11 =	vsel vm0, v11, v13  }
0x137: {  	vm0 =	vle.s32 v10, v8;
	v9 =	vadd.s32 v10, v9;
	v12 =	vadd.s32 v14, v12  }
0x138: {  	v13 =	vsel vm0, $0x1, v0;
	vm1 =	vle.s32 v9, v8;
	v7 =	vadd.s32 v9, v7  }
0x139: {  	v12 =	vadd.s32 v13, v12;
	v13 =	vsel vm1, $0x1, v0;
	vm2 =	vle.s32 v7, v8  }
0x13a: {  	v10 =	vsel vm0, v10, v11;
	v11 =	vadd.s32 v13, v12;
	v12 =	vsel vm2, $0x1, v0  }
0x13b: {  	[tilespmem:s25+$0xFFFFFFF0] =	vst v0;
	s0 =	simm.s32 $0x40;
	v9 =	vsel vm1, v9, v10;
	v10 =	vadd.s32 v12, v11;
	v11 =	vshll.u32 v6, $0xB  }
0x13c: {  	v6 =	vsel vm2, v7, v9;
	v7 =	vor.u32 v11, v10;
	v10 =	vld [tilespmem:s0+$0xFFFFFFC0];
	_ =	sdelay $0x2  }
0x13d: {  	v11 =	vld [tilespmem:s0+$0xFFFFFFD0];
	_ =	sdelay $0x1  }
0x13e: {  	v9 =	vimm.s32 $0x7FFFFFFF;
	v13 =	vshll.u32 v10, $0x4  }
0x13f: {  	v14 =	vld [tilespmem:s0+$0xFFFFFFE0];
	v12 =	vshra.s32 v10, $0xA;
	vm0 =	vlt.s32 v9, v10;
	v13 =	vand.u32 $0x3FF0, v13  }
0x140: {  	vm1 =	vgt.s32 v12, v7;
	v10 =	vsel vm0, v9, v10;
	vm0 =	veq.s32 v12, v7  }
0x141: {  	v12 =	vor.u32 v1, v13;
	v9 =	vsel vm1, v10, v9;
	v13 =	vshll.u32 v11, $0x4  }
0x142: {  	v15 =	vld [tilespmem:s0+$0xFFFFFFF0];
	v10 =	vshra.s32 v11, $0xA;
	vm1 =	vlt.s32 v9, v11;
	v13 =	vand.u32 $0x3FF0, v13  }
0x143: {  	v16 =	vld [tilespmem:s0+$0x0];
	vm2 =	vgt.s32 v10, v7;
	v11 =	vsel vm1, v9, v11;
	vm1 =	veq.s32 v10, v7  }
0x144: {  	v13 =	vor.u32 v1, v13;
	v10 =	vshra.s32 v14, $0xA;
	v9 =	vsel vm2, v11, v9  }
0x145: {  	v17 =	vld [tilespmem:s0+$0x10];
	v11 =	vshll.u32 v14, $0x4;
	vm3 =	vgt.s32 v10, v7;
	vm2 =	vlt.s32 v9, v14  }
0x146: {  	v11 =	vand.u32 $0x3FF0, v11;
	v14 =	vsel vm2, v9, v14;
	vm2 =	veq.s32 v10, v7  }
0x147: {  	v11 =	vor.u32 v1, v11;
	v10 =	vshra.s32 v15, $0xA;
	v9 =	vsel vm3, v14, v9  }
0x148: {  	[tilespmem:v12+s18+$0x0] =	vst.idx.add.s32.msk vm0, v4;
	v12 =	vshra.s32 v16, $0xA;
	v14 =	vshll.u32 v15, $0x4;
	vm3 =	vlt.s32 v9, v15  }
0x149: {  	v14 =	vand.u32 $0x3FF0, v14;
	v15 =	vsel vm3, v9, v15;
	vm3 =	vgt.s32 v10, v7  }
0x14a: {  	v14 =	vor.u32 v1, v14;
	[tilespmem:v13+s18+$0x0] =	vst.idx.add.s32.msk vm1, v4;
	v13 =	vshra.s32 v17, $0xA;
	v9 =	vsel vm3, v15, v9  }
0x14b: {  	vm3 =	veq.s32 v10, v7;
	v10 =	vshll.u32 v16, $0x4;
	vm0 =	vlt.s32 v9, v16  }
0x14c: {  	v15 =	vand.u32 $0x3FF0, v10;
	v10 =	vld [tilespmem:s0+$0x20];
	v16 =	vsel vm0, v9, v16;
	vm0 =	vgt.s32 v12, v7  }
0x14d: {  	[tilespmem:v11+s18+$0x0] =	vst.idx.add.s32.msk vm2, v4;
	vm2 =	vgt.s32 v13, v7;
	v16 =	vsel vm0, v16, v9  }
0x14e: {  	vm0 =	veq.s32 v12, v7;
	v12 =	vshll.u32 v17, $0x4;
	vm1 =	vlt.s32 v16, v17  }
0x14f: {  	v9 =	vor.u32 v1, v15;
	v11 =	vand.u32 $0x3FF0, v12;
	v12 =	vld [tilespmem:s0+$0x30];
	v15 =	vsel vm1, v16, v17  }
0x150: {  	vm1 =	veq.s32 v13, v7;
	v11 =	vor.u32 v1, v11;
	v13 =	vsel vm2, v15, v16  }
0x151: {  	s25 =	simm.s32 $0xC0;
	s0 =	simm.s32 $0x0;
	[tilespmem:v14+s18+$0x0] =	vst.idx.add.s32.msk vm3, v4;
	v14 =	vshra.s32 v10, $0xA;
	v15 =	vshll.u32 v10, $0x4;
	vm2 =	vlt.s32 v13, v10  }
.LBB2_17:
0x152: {  	v16 =	vld [tilespmem:s25+$0xFFFFFFC0];
	s0 =	sadd.s32 $0x8, s0;
	v15 =	vand.u32 $0x3FF0, v15;
	vm3 =	vgt.s32 v14, v7;
	v10 =	vsel vm2, v13, v10  }
0x153: {  	vm2 =	veq.s32 v14, v7;
	p0 =	slt.u32 s0, $0xFF8;
	v14 =	vor.u32 v1, v15;
	v10 =	vsel vm3, v10, v13  }
0x154: {  	[tilespmem:v9+s18+$0x0] =	vst.idx.add.s32.msk vm0, v4;
	v9 =	vshra.s32 v12, $0xA;
	v13 =	vshll.u32 v12, $0x4;
	vm0 =	vlt.s32 v10, v12  }
0x155: {  	v15 =	vld [tilespmem:s25+$0xFFFFFFD0];
	v13 =	vand.u32 $0x3FF0, v13;
	vm3 =	vgt.s32 v9, v7;
	v12 =	vsel vm0, v10, v12  }
0x156: {  	vm0 =	veq.s32 v9, v7;
	v9 =	vor.u32 v1, v13;
	v10 =	vsel vm3, v12, v10  }
0x157: {  	v12 =	vshra.s32 v16, $0xA;
	v13 =	vshll.u32 v16, $0x4;
	vm3 =	vlt.s32 v10, v16;
	[tilespmem:v11+s18+$0x0] =	vst.idx.add.s32.msk vm1, v4  }
0x158: {  	v11 =	vand.u32 $0x3FF0, v13;
	vm1 =	vgt.s32 v12, v7;
	v13 =	vsel vm3, v10, v16;
	v16 =	vld [tilespmem:s25+$0xFFFFFFE0]  }
0x159: {  	vm3 =	veq.s32 v12, v7;
	v11 =	vor.u32 v1, v11;
	v10 =	vsel vm1, v13, v10  }
0x15a: {  	v12 =	vshra.s32 v15, $0xA;
	v13 =	vshll.u32 v15, $0x4;
	vm1 =	vlt.s32 v10, v15;
	[tilespmem:v14+s18+$0x0] =	vst.idx.add.s32.msk vm2, v4  }
0x15b: {  	v13 =	vand.u32 $0x3FF0, v13;
	vm2 =	vgt.s32 v12, v7;
	v14 =	vsel vm1, v10, v15;
	v15 =	vld [tilespmem:s25+$0xFFFFFFF0]  }
0x15c: {  	vm1 =	veq.s32 v12, v7;
	v12 =	vor.u32 v1, v13;
	v10 =	vsel vm2, v14, v10  }
0x15d: {  	v13 =	vshra.s32 v16, $0xA;
	v14 =	vshll.u32 v16, $0x4;
	vm2 =	vlt.s32 v10, v16;
	[tilespmem:v9+s18+$0x0] =	vst.idx.add.s32.msk vm0, v4  }
0x15e: {  	v9 =	vand.u32 $0x3FF0, v14;
	vm0 =	vgt.s32 v13, v7;
	v14 =	vsel vm2, v10, v16;
	v16 =	vld [tilespmem:s25+$0x0]  }
0x15f: {  	vm2 =	veq.s32 v13, v7;
	v13 =	vor.u32 v1, v9;
	v9 =	vsel vm0, v14, v10  }
0x160: {  	[tilespmem:v11+s18+$0x0] =	vst.idx.add.s32.msk vm3, v4;
	v10 =	vshra.s32 v15, $0xA;
	v11 =	vshll.u32 v15, $0x4;
	vm0 =	vlt.s32 v9, v15  }
0x161: {  	v11 =	vand.u32 $0x3FF0, v11;
	vm3 =	vgt.s32 v10, v7;
	v14 =	vsel vm0, v9, v15;
	v15 =	vld [tilespmem:s25+$0x10]  }
0x162: {  	vm4 =	veq.s32 v10, v7;
	v17 =	vor.u32 v1, v11;
	v11 =	vsel vm3, v14, v9  }
0x163: {  	[tilespmem:v12+s18+$0x0] =	vst.idx.add.s32.msk vm1, v4;
	v9 =	vshra.s32 v16, $0xA;
	v10 =	vshll.u32 v16, $0x4;
	vm0 =	vlt.s32 v11, v16  }
0x164: {  	v12 =	vand.u32 $0x3FF0, v10;
	vm1 =	vgt.s32 v9, v7;
	v14 =	vsel vm0, v11, v16;
	v10 =	vld [tilespmem:s25+$0x20]  }
.Ltmp8:
0x165: {  	vm0 =	veq.s32 v9, v7;
	v9 =	vor.u32 v1, v12;
	v14 =	vsel vm1, v14, v11;
	(pc) =	sbr.rel @p0 .LBB2_17-.Ltmp8, $4  }
0x166: {  	[tilespmem:v13+s18+$0x0] =	vst.idx.add.s32.msk vm2, v4;
	v11 =	vshra.s32 v15, $0xA;
	v12 =	vshll.u32 v15, $0x4;
	vm1 =	vlt.s32 v14, v15  }
0x167: {  	v13 =	vand.u32 $0x3FF0, v12;
	vm2 =	vgt.s32 v11, v7;
	v15 =	vsel vm1, v14, v15;
	v12 =	vld [tilespmem:s25+$0x30]  }
0x168: {  	vm1 =	veq.s32 v11, v7;
	v11 =	vor.u32 v1, v13;
	v13 =	vsel vm2, v15, v14  }
0x169: {  	s25 =	sadd.s32 $0x80, s25;
	[tilespmem:v17+s18+$0x0] =	vst.idx.add.s32.msk vm4, v4;
	v14 =	vshra.s32 v10, $0xA;
	v15 =	vshll.u32 v10, $0x4;
	vm2 =	vlt.s32 v13, v10  }
0x16a: {  	_ = 	snop  }
0x16b: {  	v15 =	vand.u32 $0x3FF0, v15  }
0x16c: {  	vm3 =	veq.s32 v14, v7;
	v16 =	vshra.s32 v12, $0xA;
	v17 =	vshll.u32 v12, $0x4  }
0x16d: {  	v15 =	vor.u32 v1, v15;
	v17 =	vand.u32 $0x3FF0, v17;
	vm4 =	veq.s32 v16, v7  }
0x16e: {  	v17 =	vor.u32 v1, v17;
	_ =	sdelay $0x1  }
0x16f: {  	[tilespmem:v9+s18+$0x0] =	vst.idx.add.s32.msk vm0, v4  }
0x170: {  	[tilespmem:v11+s18+$0x0] =	vst.idx.add.s32.msk vm1, v4  }
0x171: {  	[tilespmem:v15+s18+$0x0] =	vst.idx.add.s32.msk vm3, v4  }
0x172: {  	v10 =	vsel vm2, v13, v10;
	vm2 =	vgt.s32 v14, v7;
	s25 =	simm.s32 $0x10040;
	[tilespmem:v17+s18+$0x0] =	vst.idx.add.s32.msk vm4, v4  }
0x173: {  	v10 =	vsel vm2, v10, v13;
	v13 =	vld [tilespmem:s25+$0xFFFFFFC0]  }
0x174: {  	s29 =	simm.s32 $0x4;
	v14 =	vld [tilespmem:s25+$0xFFFFFFD0]  }
0x175: {  	v8 =	vsub.s32 v8, v6;
	s1 =	simm.s32 $0x0;
	v11 =	vimm.s32 $0x7FFFFFFF;
	s28 =	simm.s32 $0x5;
	v18 =	vmov s29;
	v15 =	vld [tilespmem:s25+$0xFFFFFFE0]  }
0x176: {  	s6 =	simm.s32 $0x2;
	v19 =	vmov s28;
	vm7 =	vlt.s32 v11, s1;
	vm0 =	vlt.s32 v10, v12;
	v52 =	vld [tilespmem:s25+$0xFFFFFFF0]  }
0x177: {  	s0 =	simm.s32 $0x6;
	v53 =	vmov s6;
	vm1 =	vgt.s32 v16, v7;
	v9 =	vsel vm0, v10, v12  }
0x178: {  	s26 =	simm.s32 $0x7;
	s3 =	simm.s32 $0x1;
	v12 =	vimm.s32 $0x0;
	v16 =	vmov s0;
	v9 =	vsel vm1, v9, v10  }
0x179: {  	v10 =	vmov s26;
	v17 =	vmov s3;
	v20 =	vadd.s32 v12, v13  }
0x17a: {  	vm1 =	vgt.s32 v13, $0x0;
	v13 =	vmov s1;
	vm3 =	vgt.s32 v15, $0x0  }
0x17b: {  	vm5 =	vgt.s32 v14, $0x0;
	vm9 =	vgt.s32 v52, $0x0;
	vm2 =	vgt.s32 v20, v8  }
0x17c: {  	vm4 =	vle.s32 v20, v8;
	v21 =	vadd.s32 v20, v14;
	vm12 =	vlt.s32 v11, v20  }
0x17d: {  	v22 =	vsel vm4, $0x1, v0;
	v23 =	vadd.s32 v21, v15;
	vm0 =	vle.s32 v21, v8  }
0x17e: {  	v25 =	vld [tilespmem:s25+$0x0];
	vm1 =	vmand vm1, vm2;
	v15 =	vnsel vm7, s1, v11;
	vm14 =	vgt.s32 v21, v8  }
0x17f: {  	v20 =	vsel vm12, v11, v20;
	v12 =	vadd.s32 v22, v12;
	vm8 =	vgt.s32 v23, v8  }
0x180: {  	v14 =	vld [tilespmem:s25+$0x20];
	vm2 =	vle.s32 v23, v8;
	v24 =	vsel vm0, $0x1, v0;
	vm10 =	vmand vm5, vm14  }
0x181: {  	v26 =	vadd.s32 v23, v52;
	vm6 =	vgt.s32 v13, v12;
	v12 =	vadd.s32 v24, v12  }
0x182: {  	vm8 =	vmand vm3, vm8;
	v54 =	vsel vm2, $0x1, v0;
	vm7 =	vle.s32 v26, v8  }
0x183: {  	s31 =	simm.s32 $0x3;
	v55 =	vadd.s32 v26, v25;
	vm1 =	vmand vm1, vm6;
	vm11 =	vgt.s32 v17, v12  }
0x184: {  	v13 =	vld [tilespmem:s25+$0x10];
	v17 =	vmov s31;
	v12 =	vadd.s32 v54, v12;
	v58 =	vsel vm7, $0x1, v0  }
0x185: {  	v15 =	vsel vm1, v15, v11;
	vm3 =	vgt.s32 v14, $0x0;
	vm1 =	vgt.s32 v25, $0x0  }
0x186: {  	v11 =	vsel vm4, v11, v20;
	vm15 =	vmand vm10, vm11;
	vm13 =	vgt.s32 v53, v12  }
0x187: {  	v24 =	vadd.s32 v58, v12;
	vm5 =	vlt.s32 v15, s3;
	vm12 =	vlt.s32 v11, v21  }
0x188: {  	v56 =	vnsel vm5, s3, v15;
	vm5 =	vle.s32 v55, v8;
	v21 =	vsel vm12, v11, v21  }
0x189: {  	vm12 =	vgt.s32 v55, v8;
	vm6 =	vgt.s32 v13, $0x0;
	v57 =	vsel vm5, $0x1, v0  }
0x18a: {  	v15 =	vsel vm15, v56, v15;
	v11 =	vsel vm0, v11, v21;
	v13 =	vadd.s32 v55, v13  }
0x18b: {  	vm15 =	vgt.s32 v26, v8;
	vm1 =	vmand vm1, vm12;
	vm0 =	vlt.s32 v15, s6  }
0x18c: {  	vm14 =	vlt.s32 v11, v23;
	v20 =	vadd.s32 v57, v24;
	vm9 =	vmand vm9, vm15  }
0x18d: {  	vm15 =	vgt.s32 v17, v24;
	v17 =	vadd.s32 v13, v14;
	vm10 =	vle.s32 v13, v8  }
0x18e: {  	v59 =	vnsel vm0, s6, v15;
	v12 =	vsel vm14, v11, v23;
	vm0 =	vmand vm8, vm13  }
0x18f: {  	vm11 =	vgt.s32 v18, v20;
	v63 =	vsel vm10, $0x1, v0;
	v11 =	vsel vm2, v11, v12  }
0x190: {  	vm2 =	vgt.s32 v13, v8;
	v12 =	vld [tilespmem:s25+$0x30];
	v15 =	vsel vm0, v59, v15;
	vm1 =	vmand vm1, vm11  }
0x191: {  	vm13 =	vlt.s32 v11, v26;
	vm14 =	vmand vm6, vm2;
	vm2 =	vgt.s32 v17, v8  }
0x192: {  	v60 =	vsel vm13, v11, v26;
	vm2 =	vmand vm3, vm2;
	vm3 =	vlt.s32 v15, s31  }
0x193: {  	v11 =	vsel vm7, v11, v60;
	v62 =	vnsel vm3, s31, v15;
	vm3 =	vmand vm9, vm15  }
0x194: {  	v20 =	vadd.s32 v63, v20;
	vm0 =	vlt.s32 v11, v55;
	v15 =	vsel vm3, v62, v15  }
0x195: {  	v61 =	vsel vm0, v11, v55;
	v14 =	vadd.s32 v17, v12;
	vm3 =	vlt.s32 v15, s29  }
0x196: {  	v11 =	vsel vm5, v11, v61;
	vm0 =	vle.s32 v14, v8;
	v22 =	vnsel vm3, s29, v15  }
0x197: {  	vm3 =	vgt.s32 v19, v20;
	v18 =	vsel vm0, $0x1, v0;
	vm12 =	vlt.s32 v11, v13  }
0x198: {  	[tilespmem:s25+$0xFFFFFFC0] =	vst v0;
	v15 =	vsel vm1, v22, v15;
	vm1 =	vle.s32 v17, v8;
	v13 =	vsel vm12, v11, v13  }
0x199: {  	[tilespmem:s25+$0xFFFFFFD0] =	vst v0;
	vm3 =	vmand vm14, vm3;
	v13 =	vsel vm10, v11, v13;
	v11 =	vsel vm1, $0x1, v0  }
0x19a: {  	[tilespmem:s25+$0xFFFFFFE0] =	vst v0;
	vm13 =	vlt.s32 v15, s28;
	v19 =	vadd.s32 v11, v20;
	vm14 =	vlt.s32 v13, v17  }
0x19b: {  	[tilespmem:s25+$0x0] =	vst v0;
	v11 =	vnsel vm13, s28, v15;
	v17 =	vsel vm14, v13, v17;
	vm15 =	vgt.s32 v16, v19  }
0x19c: {  	[tilespmem:s25+$0x20] =	vst v0;
	v11 =	vsel vm3, v11, v15;
	v15 =	vadd.s32 v18, v19;
	v13 =	vsel vm1, v13, v17  }
0x19d: {  	[tilespmem:s25+$0x10] =	vst v0;
	vm2 =	vmand vm2, vm15;
	vm1 =	vlt.s32 v11, s0;
	vm3 =	vlt.s32 v13, v14  }
0x19e: {  	[tilespmem:s25+$0x30] =	vst v0;
	s29 =	simm.s32 $0x100C0;
	s28 =	simm.s32 $0x8;
	v17 =	vnsel vm1, s0, v11;
	vm1 =	vgt.s32 v10, v15;
	v16 =	vsel vm3, v13, v14  }
.LBB2_19:
0x19f: {  	v18 =	vld [tilespmem:s29+$0xFFFFFFC0];
	p0 =	slt.u32 s28, $0x3F8;
	[tilespmem:s25+$0xFFFFFFF0] =	vst v0;
	v17 =	vsel vm2, v17, v11;
	vm2 =	vgt.s32 v14, v8;
	vm3 =	vgt.s32 v12, $0x0;
	s6 =	smov.u32 s28;
	s28 =	sadd.s32 $0x8, s28  }
0x1a0: {  	s25 =	smov.u32 s29;
	[tilespmem:s29+$0xFFFFFFC0] =	vst v0;
	v12 =	vld [tilespmem:s29+$0xFFFFFFD0];
	s0 =	sadd.s32 $0x7, s6;
	vm2 =	vmand vm3, vm2;
	vm3 =	vlt.s32 v17, s26  }
0x1a1: {  	s30 =	sadd.s32 $0x6, s6;
	[tilespmem:s29+$0xFFFFFFD0] =	vst v0;
	v19 =	vld [tilespmem:s29+$0xFFFFFFE0];
	v10 =	vmov s0;
	vm1 =	vmand vm2, vm1;
	v20 =	vnsel vm3, s26, v17;
	s26 =	smov.u32 s0  }
0x1a2: {  	v16 =	vsel vm0, v13, v16;
	s1 =	sadd.s32 $0x1, s6;
	s31 =	sadd.s32 $0x5, s6;
	s0 =	sadd.s32 $0x4, s6;
	v11 =	vmov s30;
	[tilespmem:s29+$0xFFFFFFE0] =	vst v0;
	v17 =	vsel vm1, v20, v17  }
0x1a3: {  	v13 =	vmov s31;
	v20 =	vmov s1;
	v21 =	vmov s0  }
0x1a4: {  	v14 =	vadd.s32 v14, v18;
	vm1 =	vgt.s32 v18, $0x0;
	v18 =	vmov s6  }
0x1a5: {  	vm2 =	vgt.s32 v14, v8;
	vm4 =	vle.s32 v14, v8;
	v22 =	vadd.s32 v14, v12  }
0x1a6: {  	v23 =	vsel vm4, $0x1, v0;
	v24 =	vadd.s32 v22, v19;
	vm3 =	vgt.s32 v19, $0x0  }
0x1a7: {  	vm5 =	vgt.s32 v12, $0x0;
	vm0 =	vle.s32 v22, v8;
	v15 =	vadd.s32 v23, v15;
	v19 =	vld [tilespmem:s29+$0x20]  }
0x1a8: {  	vm7 =	vlt.s32 v17, s6;
	vm8 =	vgt.s32 v24, v8;
	vm6 =	vgt.s32 v18, v15;
	v12 =	vld [tilespmem:s29+$0x10];
	[tilespmem:s29+$0x20] =	vst v0  }
0x1a9: {  	vm1 =	vmand vm1, vm2;
	vm2 =	vle.s32 v24, v8;
	v18 =	vnsel vm7, s6, v17;
	v23 =	vld [tilespmem:s29+$0xFFFFFFF0];
	[tilespmem:s29+$0x10] =	vst v0  }
0x1aa: {  	v25 =	vsel vm0, $0x1, v0;
	vm1 =	vmand vm1, vm6;
	vm6 =	vgt.s32 v22, v8;
	v26 =	vld [tilespmem:s29+$0x0]  }
0x1ab: {  	s3 =	sadd.s32 $0x3, s6;
	v15 =	vadd.s32 v25, v15;
	v17 =	vsel vm1, v18, v17;
	vm10 =	vmand vm5, vm6;
	[tilespmem:s29+$0x0] =	vst v0  }
0x1ac: {  	vm8 =	vmand vm3, vm8;
	vm11 =	vgt.s32 v20, v15;
	v18 =	vmov s3  }
0x1ad: {  	s6 =	sadd.s32 $0x2, s6;
	vm5 =	vlt.s32 v17, s1;
	vm3 =	vgt.s32 v19, $0x0;
	vm6 =	vgt.s32 v12, $0x0  }
0x1ae: {  	v20 =	vmov s6;
	v25 =	vadd.s32 v24, v23;
	vm9 =	vgt.s32 v23, $0x0  }
0x1af: {  	v23 =	vsel vm2, $0x1, v0;
	vm7 =	vle.s32 v25, v8;
	vm1 =	vgt.s32 v26, $0x0  }
0x1b0: {  	vm12 =	vlt.s32 v16, v14;
	v15 =	vadd.s32 v23, v15;
	v23 =	vadd.s32 v25, v26  }
0x1b1: {  	v14 =	vsel vm12, v16, v14;
	v26 =	vnsel vm5, s1, v17;
	vm5 =	vle.s32 v23, v8  }
0x1b2: {  	v14 =	vsel vm4, v16, v14;
	vm4 =	vmand vm10, vm11;
	v16 =	vsel vm5, $0x1, v0  }
0x1b3: {  	vm10 =	vlt.s32 v14, v22;
	vm11 =	vgt.s32 v20, v15;
	v20 =	vsel vm7, $0x1, v0  }
0x1b4: {  	v22 =	vsel vm10, v14, v22;
	v17 =	vsel vm4, v26, v17;
	v15 =	vadd.s32 v20, v15  }
0x1b5: {  	v14 =	vsel vm0, v14, v22;
	vm0 =	vlt.s32 v17, s6;
	v20 =	vadd.s32 v23, v12  }
0x1b6: {  	vm4 =	vlt.s32 v14, v24;
	v22 =	vnsel vm0, s6, v17;
	v16 =	vadd.s32 v16, v15  }
0x1b7: {  	v12 =	vsel vm4, v14, v24;
	vm0 =	vmand vm8, vm11;
	vm8 =	vgt.s32 v25, v8  }
0x1b8: {  	vm4 =	vgt.s32 v23, v8;
	v14 =	vsel vm2, v14, v12;
	vm2 =	vgt.s32 v20, v8;
	v12 =	vld [tilespmem:s29+$0x30]  }
0x1b9: {  	vm10 =	vlt.s32 v14, v25;
	vm8 =	vmand vm9, vm8;
	vm2 =	vmand vm6, vm2;
	[tilespmem:s29+$0x30] =	vst v0  }
0x1ba: {  	vm6 =	vgt.s32 v18, v15;
	v15 =	vadd.s32 v20, v19;
	v24 =	vsel vm10, v14, v25  }
0x1bb: {  	vm9 =	vgt.s32 v15, v8;
	v18 =	vsel vm7, v14, v24;
	vm7 =	vle.s32 v20, v8  }
0x1bc: {  	v17 =	vsel vm0, v22, v17;
	vm3 =	vmand vm3, vm9;
	vm0 =	vlt.s32 v18, v23  }
0x1bd: {  	vm9 =	vlt.s32 v17, s3;
	v19 =	vsel vm0, v18, v23;
	v14 =	vadd.s32 v15, v12  }
0x1be: {  	v22 =	vnsel vm9, s3, v17;
	v18 =	vsel vm5, v18, v19;
	vm0 =	vle.s32 v14, v8  }
0x1bf: {  	vm5 =	vmand vm8, vm6;
	vm6 =	vgt.s32 v21, v16;
	v19 =	vsel vm0, $0x1, v0  }
0x1c0: {  	vm1 =	vmand vm1, vm4;
	v21 =	vsel vm7, $0x1, v0;
	v17 =	vsel vm5, v22, v17  }
0x1c1: {  	vm1 =	vmand vm1, vm6;
	vm5 =	vlt.s32 v18, v20;
	vm4 =	vlt.s32 v17, s0  }
0x1c2: {  	v16 =	vadd.s32 v21, v16;
	v20 =	vsel vm5, v18, v20;
	v22 =	vnsel vm4, s0, v17  }
0x1c3: {  	v18 =	vsel vm7, v18, v20;
	v17 =	vsel vm1, v22, v17;
	vm1 =	vle.s32 v15, v8  }
0x1c4: {  	vm4 =	vgt.s32 v13, v16;
	vm5 =	vlt.s32 v17, s31;
	v13 =	vsel vm1, $0x1, v0  }
.Ltmp9:
0x1c5: {  	vm2 =	vmand vm2, vm4;
	vm4 =	vlt.s32 v18, v15;
	v16 =	vadd.s32 v13, v16;
	(pc) =	sbr.rel @p0 .LBB2_19-.Ltmp9, $4  }
0x1c6: {  	v15 =	vsel vm4, v18, v15;
	v13 =	vnsel vm5, s31, v17;
	vm4 =	vgt.s32 v11, v16  }
0x1c7: {  	v11 =	vsel vm2, v13, v17;
	v13 =	vsel vm1, v18, v15;
	vm2 =	vmand vm3, vm4  }
0x1c8: {  	vm1 =	vlt.s32 v11, s30;
	v15 =	vadd.s32 v19, v16;
	vm3 =	vlt.s32 v13, v14  }
0x1c9: {  	s29 =	sadd.s32 $0x80, s29;
	v17 =	vnsel vm1, s30, v11;
	v16 =	vsel vm3, v13, v14;
	vm1 =	vgt.s32 v10, v15  }
0x1ca: {  	v10 =	vsel vm2, v17, v11;
	vm10 =	vgt.s32 v14, v8;
	vm3 =	vgt.s32 v12, $0x0  }
0x1cb: {  	vm2 =	vmand vm3, vm10;
	vm11 =	vlt.s32 v10, s26  }
0x1cc: {  	vm1 =	vmand vm2, vm1;
	v61 =	vnsel vm11, s26, v10  }
0x1cd: {  	v7 =	vshll.u32 v7, $0xA;
	v8 =	vsel vm1, v61, v10  }
0x1ce: {  	v10 =	vor.u32 v7, v8  }
0x1cf: {  	v62 =	vsel vm0, v13, v16;
	v5 =	vadd.s32 v5, v6;
	vm12 =	vlt.s32 v10, v9  }
0x1d0: {  	v5 =	vadd.s32 v62, v5;
	vm1 =	vlt.s32 v8, $0x400;
	v6 =	vsel vm12, v10, v9  }
0x1d1: {  	vm13 =	vgt.s32 v5, $0x800;
	v7 =	vor.u32 v7, v15;
	v5 =	vsel vm1, v6, v9  }
0x1d2: {  	vm14 =	vlt.s32 v7, $0x0;
	v5 =	vsel vm13, v7, v5  }
0x1d3: {  	v6 =	vxor.u32 $0x7FFFFFFF, v7;
	v63 =	vxor.u32 $0x7FFFFFFF, v5;
	vm15 =	vlt.s32 v5, $0x0  }
0x1d4: {  	v6 =	vsel vm14, v6, v7;
	v5 =	vsel vm15, v63, v5  }
0x1d5: {  	v5 =	vsub.f32 v5, v6;
	_ =	sdelay $0x1  }
0x1d6: {  	v5 =	vmul.f32 $5.000000000e-01, v5;
	_ =	sdelay $0x1  }
0x1d7: {  	s23 =	sadd.s32 $0x1, s23;
	v5 =	vadd.f32 v6, v5  }
0x1d8: {  	[tilespmem:s25+$0xFFFFFFF0] =	vst v0;
	s0 =	sshll.u32 s24, $0x1;
	s1 =	rddreg [dreg:$0x1];
	p0 =	sne.s32 s23, $0x10  }
.Ltmp10:
0x1d9: {  	s31 =	simm.s32 $0x0;
	s0 =	sadd.s32 s1, s0;
	[tilespmem:$0x18000] =	vst v5;
	(pc) =	sbr.rel @p0 .LBB2_4-.Ltmp10, $4  }
0x1da: {  	[hbm4b:s0+s31] =	stream.linear.scatter [tilespmem:s19], [sflag:$0x2], $0x10, $0x38;
	[tilespmem:$0x19010] =	vst v63  }
0x1db: {  	_ =	swait.ge [sflag:s20], $0x10  }
0x1dc: {  	[sflag:s20] =	ssyncset.done $0x0  }
0x1dd: {  	s5 =	sadd.s32 $0x1, s5;
	s21 =	sadd.s32 $0x1, s21;
	[sflag:s20] =	ssyncadd.s32 $0xFFFFFFF0  }
0x1de: {  	s1 =	rddreg [dreg:$0x4]  }
0x1df: {  	s0 =	rddreg [dreg:$0x3];
	s1 =	sadd.s32 $0x1, s1  }
0x1e0: {  	p0 =	sne.s32 s1, s0  }
.Ltmp11:
0x1e1: {  	_ = 	snop;
	(pc) =	sbr.rel @p0 .LBB2_1-.Ltmp11, $1  }
0x1e2: {  	_ =	sdelay $0x3  }
0x1e3: {  	_ =	sfence.sel $0x180000  }
0x1e4: {  	[bflag:$0x0] =	sbarrier.arrive $0xFFFF  }
0x1e5: {  	_ =	strace $0x90000047  }
0x1e6: {  	s0 =	stileid.u32;
	[bflag:$0x2] =	sbarrier.arrive $0xFFFF  }
0x1e7: {  	p0 =	sne.s32 s0, $0x0;
	s0 =	rddreg [dreg:$0x2]  }
0x1e8: {  	s0 =	sadd.s32 @!p0 $0x100000, s0  }
0x1e9: {  	[sflag:s0] =	ssyncadd.tile.s32 @!p0 $0x1;
	_ =	shalt  }
.Lfunc_end2:
_tile_overlayer_lowered:
.L_overlay_start_2:
0x1ea: {  	(tag) =	ssettag $0x2  }
0x1eb: {  	s0 =	rddreg [dreg:$0x0];
	s2 =	stileid.u32  }
0x1ec: {  	s1 =	rddreg [dreg:$0x1];
	p0 =	sne.s32 s2, $0x0  }
0x1ed: {  	s3 =	rddreg [dreg:$0x2];
	[bflag:$0x3] =	sbarrier.arrive $0xFFFF;
	s2 =	simm.s32 @!p0 $0x1C02  }
0x1ee: {  	[timem:s3], [sflag:s2] =	dma.local @!p0 [hbm:s0], s1  }
0x1ef: {  	s0 =	simm.s32 @!p0 $0x2  }
0x1f0: {  	_ =	swait.ge @!p0 [sflag:s0], s1  }
0x1f1: {  	s1 =	ssub.s32 @!p0 $0x0, s1;
	[sflag:s0] =	ssyncset.done @!p0 $0x0  }
0x1f2: {  	[sflag:s0] =	ssyncadd.s32 @!p0 s1  }
0x1f3: {  	[bflag:$0x3] =	sbarrier.arrive $0xFFFF  }
0x1f4: {  	_ =	shalt  }

</sc_bundles>
